<compile_context>
chip_gen: v7x
topology: tpu7x:2x2x1
jax: 0.10.2.dev20260603
libtpu: 0.0.44.dev20260713+nightly
codegen_flags: <defaults>
</compile_context>

<pallas_src>
import functools

import jax
import jax.numpy as jnp
from jax import lax
from jax.experimental import pallas as pl
from jax.experimental.pallas import tpu as pltpu
from jax.experimental.pallas import tpu_sc as plsc

D_MODEL_DIM = 64
SCALE = 8.0

_info = plsc.get_sparse_core_info()
NUM_CORES = _info.num_cores
NUM_SUBCORES = _info.num_subcores
NUM_LANES = _info.num_lanes
NUM_WORKERS = NUM_CORES * NUM_SUBCORES

CHUNK = 800
NBUF = 2


def _make_kernel(total_rows: int):
    assert total_rows % (NUM_WORKERS * CHUNK) == 0
    n_chunks = total_rows // (NUM_WORKERS * CHUNK)
    assert n_chunks % NBUF == 0
    mesh = plsc.VectorSubcoreMesh(core_axis_name="c", subcore_axis_name="s")

    @functools.partial(
        pl.kernel,
        mesh=mesh,
        compiler_params=pltpu.CompilerParams(use_tc_tiling_on_sc=False),
        out_type=jax.ShapeDtypeStruct((total_rows, D_MODEL_DIM), jnp.float32),
        scratch_types=[
            pltpu.VMEM((n_chunks, CHUNK), jnp.int32),
            pltpu.VMEM((CHUNK, D_MODEL_DIM), jnp.float32),
            pltpu.VMEM((CHUNK, D_MODEL_DIM), jnp.float32),
            pltpu.SemaphoreType.DMA,
            pltpu.SemaphoreType.DMA,
            pltpu.SemaphoreType.DMA,
            pltpu.SemaphoreType.DMA,
        ],
    )
    def k(idx_hbm, table_hbm, out_hbm, idx_v, rows0, rows1, sg0, sg1, so0, so1):
        wid = lax.axis_index("s") * NUM_CORES + lax.axis_index("c")
        rows = (rows0, rows1)
        sg = (sg0, sg1)
        so = (so0, so1)

        pltpu.sync_copy(idx_hbm.at[pl.ds(wid * n_chunks, n_chunks)], idx_v)

        def start_gather(g, b):
            pltpu.async_copy(table_hbm.at[idx_v.at[g]], rows[b], sg[b])

        def wait_gather(b):
            pltpu.make_async_copy(table_hbm.at[idx_v.at[0]], rows[b], sg[b]).wait()

        def start_out(g, b):
            off = (wid * n_chunks + g) * CHUNK
            pltpu.async_copy(rows[b], out_hbm.at[pl.ds(off, CHUNK)], so[b])

        def wait_out(b):
            off = wid * n_chunks * CHUNK
            pltpu.make_async_copy(rows[b], out_hbm.at[pl.ds(off, CHUNK)], so[b]).wait()

        def scale(b):
            r = rows[b]

            @plsc.parallel_loop(0, CHUNK, unroll=8)
            def _(i):
                for j in range(D_MODEL_DIM // NUM_LANES):
                    sl = pl.ds(j * NUM_LANES, NUM_LANES)
                    r[i, sl] = r[i, sl] * SCALE

        start_gather(0, 0)

        def pair_body(p, _):
            for b in range(NBUF):
                g = NBUF * p + b
                nb = 1 - b

                @pl.when(g + 1 < n_chunks)
                def _():
                    @pl.when(g >= 1)
                    def _():
                        wait_out(nb)

                    start_gather(g + 1, nb)

                wait_gather(b)
                scale(b)
                start_out(g, b)
            return 0

        lax.fori_loop(0, n_chunks // NBUF, pair_body, 0)
        wait_out(0)
        wait_out(1)

    return k


def kernel(x, table):
    orig_shape = x.shape
    idx = x.reshape(-1).astype(jnp.int32)
    total_rows = idx.shape[0]
    per_worker = total_rows // NUM_WORKERS
    idx2d = idx.reshape(total_rows // CHUNK, CHUNK)
    del per_worker
    out = _make_kernel(total_rows)(idx2d, table)
    return out.reshape(*orig_shape, D_MODEL_DIM)

# --- scband reference (transcript-rebuilt; emitter-appended) ---
"""Pipeline reference for scband-embeddings-12223476924435 (READ-ONLY COPY).

The authoritative reference and input builder live on the scoring server;
editing this copy changes nothing except your own understanding.
"""

import jax, jax.numpy as jnp
import numpy as np

D_MODEL = 64
VOCAB = 1000000

def setup_inputs(seed: int = 0) -> dict:
    key = jax.random.key(seed)
    k1, k2 = jax.random.split(key)
    x = jax.random.randint(k1, (16384, 50), 0, VOCAB, dtype=jnp.int64)
    table = jax.random.normal(k2, (VOCAB, D_MODEL), dtype=jnp.float32)
    return {"x": x, "table": table}

def reference(x, table):
    # Embedding lookup scaled by sqrt(d_model)
    emb = jnp.take(table, x, axis=0)
    return emb * (D_MODEL ** 0.5)

if __name__ == "__main__":
    import jax
    _d = setup_inputs()
    print(jax.jit(kernel)(*tuple(_d.values())))

</pallas_src>

<mosaic_0001>
#map = affine_map<(d0, d1) -> (0, 0)>
module attributes {stable_mosaic.version = 14 : i64} {
  func.func @k(%arg0: i32, %arg1: i32, %arg2: memref<1024x800xi32, #tpu.memory_space<hbm>>, %arg3: memref<1000000x64xf32, #tpu.memory_space<hbm>>, %arg4: memref<819200x64xf32, #tpu.memory_space<hbm>>, %arg5: memref<32x800xi32, #tpu.memory_space<vmem>>, %arg6: memref<800x64xf32, #tpu.memory_space<vmem>>, %arg7: memref<800x64xf32, #tpu.memory_space<vmem>>, %arg8: memref<!tpu.dma_semaphore, #tpu.memory_space<semaphore_mem>>, %arg9: memref<!tpu.dma_semaphore, #tpu.memory_space<semaphore_mem>>, %arg10: memref<!tpu.dma_semaphore, #tpu.memory_space<semaphore_mem>>, %arg11: memref<!tpu.dma_semaphore, #tpu.memory_space<semaphore_mem>>) attributes {dimension_semantics = [#tpu.dimension_semantics<core_parallel>, #tpu.dimension_semantics<subcore_parallel>], iteration_bounds = array<i64: 2, 16>, scalar_prefetch = 0 : i64, scratch_operands = 7 : i64, tpu.core_type = #tpu.core_type<sc_vector_subcore>, window_params = [{transform_indices = #map}, {transform_indices = #map}, {transform_indices = #map}]} {
    %mul3A = arith.constant 2 : i32
    %mul3A_0 = arith.muli %arg1, %mul3A : i32
    %add3A = arith.addi %mul3A_0, %arg0 : i32
    %mul3A_1 = arith.constant 32 : i32
    %mul3A_2 = arith.muli %add3A, %mul3A_1 : i32
    "tpu.region"() ({
      %run_scoped3A = tpu.sem_alloc : memref<!tpu.dma_semaphore, #tpu.memory_space<semaphore_mem>>
      %dma_start3A_30 = arith.constant 0 : i32
      %dma_start3A_31 = tpu.memref_slice %arg2[%mul3A_2, %dma_start3A_30] : memref<1024x800xi32, #tpu.memory_space<hbm>> -> memref<32x800xi32, #tpu.memory_space<hbm>>
      %dma_start3A_32 = arith.constant 0 : i32
      %dma_start3A_33 = tpu.memref_slice %arg2[%mul3A_2, %dma_start3A_32] : memref<1024x800xi32, #tpu.memory_space<hbm>> -> memref<32x800xi32, #tpu.memory_space<hbm>>
      tpu.enqueue_dma source(%dma_start3A_33 : memref<32x800xi32, #tpu.memory_space<hbm>>) target(%arg5 : memref<32x800xi32, #tpu.memory_space<vmem>>) target_semaphore(%run_scoped3A : memref<!tpu.dma_semaphore, #tpu.memory_space<semaphore_mem>>)
      %dma_wait3A_34 = arith.constant 0 : i32
      %dma_wait3A_35 = tpu.memref_slice %arg2[%mul3A_2, %dma_wait3A_34] : memref<1024x800xi32, #tpu.memory_space<hbm>> -> memref<32x800xi32, #tpu.memory_space<hbm>>
      %dma_wait3A_36 = arith.constant 0 : i32
      %dma_wait3A_37 = tpu.memref_slice %arg2[%mul3A_2, %dma_wait3A_36] : memref<1024x800xi32, #tpu.memory_space<hbm>> -> memref<32x800xi32, #tpu.memory_space<hbm>>
      tpu.wait_dma2 semaphore(%run_scoped3A : memref<!tpu.dma_semaphore, #tpu.memory_space<semaphore_mem>>) src(%dma_wait3A_37 : memref<32x800xi32, #tpu.memory_space<hbm>>) dst(%arg5 : memref<32x800xi32, #tpu.memory_space<vmem>>)
      tpu.yield
    }) : () -> ()
    %dma_start3A = arith.constant 0 : i32
    %dma_start3A_3 = arith.constant 0 : i32
    %dma_start3A_4 = tpu.memref_slice %arg5[%dma_start3A, %dma_start3A_3] : memref<32x800xi32, #tpu.memory_space<vmem>> -> memref<1x800xi32, #tpu.memory_space<vmem>>
    %dma_start3A_5 = tpu.memref_squeeze %dma_start3A_4 : memref<1x800xi32, #tpu.memory_space<vmem>> -> memref<800xi32, #tpu.memory_space<vmem>>
    %dma_start3A_6 = arith.constant 0 : i32
    %dma_start3A_7 = arith.constant 0 : i32
    %dma_start3A_8 = tpu.memref_slice %arg3[%dma_start3A_6, %dma_start3A_7] : memref<1000000x64xf32, #tpu.memory_space<hbm>> -> memref<1000000x64xf32, #tpu.memory_space<hbm>>
    tpu.enqueue_indirect_dma source(%dma_start3A_8 : memref<1000000x64xf32, #tpu.memory_space<hbm>>) target(%arg6 : memref<800x64xf32, #tpu.memory_space<vmem>>) offsets(%dma_start3A_5 : memref<800xi32, #tpu.memory_space<vmem>>) semaphore(%arg8 : memref<!tpu.dma_semaphore, #tpu.memory_space<semaphore_mem>>)
    %scan3A = arith.constant 0 : i32
    %scan3A_9 = arith.constant 0 : i32
    %scan3A_10 = arith.constant 16 : i32
    %scan3A_11 = arith.addi %scan3A_9, %scan3A_10 : i32
    %scan3A_12 = arith.constant 1 : i32
    %scan3A_13 = scf.for %scan3A_30 = %scan3A_9 to %scan3A_11 step %scan3A_12 iter_args(%scan3A_31 = %scan3A) -> (i32)  : i32 {
      %mul3A_32 = arith.constant 2 : i32
      %mul3A_33 = arith.muli %mul3A_32, %scan3A_30 : i32
      %add3A_34 = arith.constant 0 : i32
      %add3A_35 = arith.addi %mul3A_33, %add3A_34 : i32
      %add3A_36 = arith.constant 1 : i32
      %add3A_37 = arith.addi %add3A_35, %add3A_36 : i32
      %lt3A = arith.constant 32 : i32
      %lt3A_38 = arith.cmpi slt, %add3A_37, %lt3A : i32
      %convert_element_type3A = arith.extui %lt3A_38 : i1 to i32
      %cond3A = arith.constant 0 : i32
      %cond3A_39 = arith.cmpi ne, %convert_element_type3A, %cond3A : i32
      scf.if %cond3A_39 {
        %ge3A = arith.constant 1 : i32
        %ge3A_89 = arith.cmpi sge, %add3A_35, %ge3A : i32
        %convert_element_type3A_90 = arith.extui %ge3A_89 : i1 to i32
        %cond3A_91 = arith.constant 0 : i32
        %cond3A_92 = arith.cmpi ne, %convert_element_type3A_90, %cond3A_91 : i32
        scf.if %cond3A_92 {
          %mul3A_101 = arith.constant 32 : i32
          %mul3A_102 = arith.muli %add3A, %mul3A_101 : i32
          %mul3A_103 = arith.constant 800 : i32
          %mul3A_104 = arith.muli %mul3A_102, %mul3A_103 : i32
          %dma_wait3A_105 = arith.constant 0 : i32
          %dma_wait3A_106 = tpu.memref_slice %arg4[%mul3A_104, %dma_wait3A_105] : memref<819200x64xf32, #tpu.memory_space<hbm>> -> memref<800x64xf32, #tpu.memory_space<hbm>>
          %dma_wait3A_107 = arith.constant 0 : i32
          %dma_wait3A_108 = tpu.memref_slice %arg4[%mul3A_104, %dma_wait3A_107] : memref<819200x64xf32, #tpu.memory_space<hbm>> -> memref<800x64xf32, #tpu.memory_space<hbm>>
          tpu.wait_dma2 semaphore(%arg11 : memref<!tpu.dma_semaphore, #tpu.memory_space<semaphore_mem>>) src(%arg7 : memref<800x64xf32, #tpu.memory_space<vmem>>) dst(%dma_wait3A_108 : memref<800x64xf32, #tpu.memory_space<hbm>>)
        } else {
        }
        %add3A_93 = arith.constant 1 : i32
        %add3A_94 = arith.addi %add3A_35, %add3A_93 : i32
        %dma_start3A_95 = arith.constant 0 : i32
        %dma_start3A_96 = tpu.memref_slice %arg5[%add3A_94, %dma_start3A_95] : memref<32x800xi32, #tpu.memory_space<vmem>> -> memref<1x800xi32, #tpu.memory_space<vmem>>
        %dma_start3A_97 = tpu.memref_squeeze %dma_start3A_96 : memref<1x800xi32, #tpu.memory_space<vmem>> -> memref<800xi32, #tpu.memory_space<vmem>>
        %dma_start3A_98 = arith.constant 0 : i32
        %dma_start3A_99 = arith.constant 0 : i32
        %dma_start3A_100 = tpu.memref_slice %arg3[%dma_start3A_98, %dma_start3A_99] : memref<1000000x64xf32, #tpu.memory_space<hbm>> -> memref<1000000x64xf32, #tpu.memory_space<hbm>>
        tpu.enqueue_indirect_dma source(%dma_start3A_100 : memref<1000000x64xf32, #tpu.memory_space<hbm>>) target(%arg7 : memref<800x64xf32, #tpu.memory_space<vmem>>) offsets(%dma_start3A_97 : memref<800xi32, #tpu.memory_space<vmem>>) semaphore(%arg9 : memref<!tpu.dma_semaphore, #tpu.memory_space<semaphore_mem>>)
      } else {
      }
      %dma_wait3A_40 = arith.constant 0 : i32
      %dma_wait3A_41 = arith.constant 0 : i32
      %dma_wait3A_42 = tpu.memref_slice %arg5[%dma_wait3A_40, %dma_wait3A_41] : memref<32x800xi32, #tpu.memory_space<vmem>> -> memref<1x800xi32, #tpu.memory_space<vmem>>
      %dma_wait3A_43 = tpu.memref_squeeze %dma_wait3A_42 : memref<1x800xi32, #tpu.memory_space<vmem>> -> memref<800xi32, #tpu.memory_space<vmem>>
      %dma_wait3A_44 = arith.constant 0 : i32
      %dma_wait3A_45 = arith.constant 0 : i32
      %dma_wait3A_46 = tpu.memref_slice %arg3[%dma_wait3A_44, %dma_wait3A_45] : memref<1000000x64xf32, #tpu.memory_space<hbm>> -> memref<1000000x64xf32, #tpu.memory_space<hbm>>
      tpu.wait_indirect_dma semaphore(%arg8 : memref<!tpu.dma_semaphore, #tpu.memory_space<semaphore_mem>>) src(%dma_wait3A_46 : memref<1000000x64xf32, #tpu.memory_space<hbm>>) dst(%arg6 : memref<800x64xf32, #tpu.memory_space<vmem>>)
      %parallel_loop3A = arith.constant 0 : i32
      %parallel_loop3A_47 = arith.constant 800 : i32
      %parallel_loop3A_48 = arith.constant 1 : i32
      scf.for %parallel_loop3A_89 = %parallel_loop3A to %parallel_loop3A_47 step %parallel_loop3A_48  : i32 {
        %parallel_loop3A_90 = arith.index_cast %parallel_loop3A_89 : i32 to index
        %parallel_loop3A_91 = arith.constant 0 : index
        %parallel_loop3A_92 = tpu.vector_load %arg6[%parallel_loop3A_90, %parallel_loop3A_91] {strides = array<i32>} : memref<800x64xf32, #tpu.memory_space<vmem>>, vector<1x16xf32>,
        %parallel_loop3A_93 = vector.shape_cast %parallel_loop3A_92 : vector<1x16xf32> to vector<16xf32>
        %parallel_loop3A_94 = arith.constant 8.000000e+00 : f32
        %parallel_loop3A_95 = vector.broadcast %parallel_loop3A_94 : f32 to vector<16xf32>
        %parallel_loop3A_96 = arith.mulf %parallel_loop3A_93, %parallel_loop3A_95 : vector<16xf32>
        %parallel_loop3A_97 = arith.index_cast %parallel_loop3A_89 : i32 to index
        %parallel_loop3A_98 = arith.constant 0 : index
        %parallel_loop3A_99 = tpu.vector_load %arg6[%parallel_loop3A_97, %parallel_loop3A_98] {strides = array<i32>} : memref<800x64xf32, #tpu.memory_space<vmem>>, vector<1x16xf32>,
        %parallel_loop3A_100 = vector.shape_cast %parallel_loop3A_99 : vector<1x16xf32> to vector<16xf32>
        %parallel_loop3A_101 = vector.shape_cast %parallel_loop3A_96 : vector<16xf32> to vector<1x16xf32>
        tpu.vector_store %arg6[%parallel_loop3A_97, %parallel_loop3A_98], %parallel_loop3A_101 {strides = array<i32>} : memref<800x64xf32, #tpu.memory_space<vmem>>, vector<1x16xf32>,
        %parallel_loop3A_102 = arith.index_cast %parallel_loop3A_89 : i32 to index
        %parallel_loop3A_103 = arith.constant 16 : index
        %parallel_loop3A_104 = tpu.vector_load %arg6[%parallel_loop3A_102, %parallel_loop3A_103] {strides = array<i32>} : memref<800x64xf32, #tpu.memory_space<vmem>>, vector<1x16xf32>,
        %parallel_loop3A_105 = vector.shape_cast %parallel_loop3A_104 : vector<1x16xf32> to vector<16xf32>
        %parallel_loop3A_106 = arith.constant 8.000000e+00 : f32
        %parallel_loop3A_107 = vector.broadcast %parallel_loop3A_106 : f32 to vector<16xf32>
        %parallel_loop3A_108 = arith.mulf %parallel_loop3A_105, %parallel_loop3A_107 : vector<16xf32>
        %parallel_loop3A_109 = arith.index_cast %parallel_loop3A_89 : i32 to index
        %parallel_loop3A_110 = arith.constant 16 : index
        %parallel_loop3A_111 = tpu.vector_load %arg6[%parallel_loop3A_109, %parallel_loop3A_110] {strides = array<i32>} : memref<800x64xf32, #tpu.memory_space<vmem>>, vector<1x16xf32>,
        %parallel_loop3A_112 = vector.shape_cast %parallel_loop3A_111 : vector<1x16xf32> to vector<16xf32>
        %parallel_loop3A_113 = vector.shape_cast %parallel_loop3A_108 : vector<16xf32> to vector<1x16xf32>
        tpu.vector_store %arg6[%parallel_loop3A_109, %parallel_loop3A_110], %parallel_loop3A_113 {strides = array<i32>} : memref<800x64xf32, #tpu.memory_space<vmem>>, vector<1x16xf32>,
        %parallel_loop3A_114 = arith.index_cast %parallel_loop3A_89 : i32 to index
        %parallel_loop3A_115 = arith.constant 32 : index
        %parallel_loop3A_116 = tpu.vector_load %arg6[%parallel_loop3A_114, %parallel_loop3A_115] {strides = array<i32>} : memref<800x64xf32, #tpu.memory_space<vmem>>, vector<1x16xf32>,
        %parallel_loop3A_117 = vector.shape_cast %parallel_loop3A_116 : vector<1x16xf32> to vector<16xf32>
        %parallel_loop3A_118 = arith.constant 8.000000e+00 : f32
        %parallel_loop3A_119 = vector.broadcast %parallel_loop3A_118 : f32 to vector<16xf32>
        %parallel_loop3A_120 = arith.mulf %parallel_loop3A_117, %parallel_loop3A_119 : vector<16xf32>
        %parallel_loop3A_121 = arith.index_cast %parallel_loop3A_89 : i32 to index
        %parallel_loop3A_122 = arith.constant 32 : index
        %parallel_loop3A_123 = tpu.vector_load %arg6[%parallel_loop3A_121, %parallel_loop3A_122] {strides = array<i32>} : memref<800x64xf32, #tpu.memory_space<vmem>>, vector<1x16xf32>,
        %parallel_loop3A_124 = vector.shape_cast %parallel_loop3A_123 : vector<1x16xf32> to vector<16xf32>
        %parallel_loop3A_125 = vector.shape_cast %parallel_loop3A_120 : vector<16xf32> to vector<1x16xf32>
        tpu.vector_store %arg6[%parallel_loop3A_121, %parallel_loop3A_122], %parallel_loop3A_125 {strides = array<i32>} : memref<800x64xf32, #tpu.memory_space<vmem>>, vector<1x16xf32>,
        %parallel_loop3A_126 = arith.index_cast %parallel_loop3A_89 : i32 to index
        %parallel_loop3A_127 = arith.constant 48 : index
        %parallel_loop3A_128 = tpu.vector_load %arg6[%parallel_loop3A_126, %parallel_loop3A_127] {strides = array<i32>} : memref<800x64xf32, #tpu.memory_space<vmem>>, vector<1x16xf32>,
        %parallel_loop3A_129 = vector.shape_cast %parallel_loop3A_128 : vector<1x16xf32> to vector<16xf32>
        %parallel_loop3A_130 = arith.constant 8.000000e+00 : f32
        %parallel_loop3A_131 = vector.broadcast %parallel_loop3A_130 : f32 to vector<16xf32>
        %parallel_loop3A_132 = arith.mulf %parallel_loop3A_129, %parallel_loop3A_131 : vector<16xf32>
        %parallel_loop3A_133 = arith.index_cast %parallel_loop3A_89 : i32 to index
        %parallel_loop3A_134 = arith.constant 48 : index
        %parallel_loop3A_135 = tpu.vector_load %arg6[%parallel_loop3A_133, %parallel_loop3A_134] {strides = array<i32>} : memref<800x64xf32, #tpu.memory_space<vmem>>, vector<1x16xf32>,
        %parallel_loop3A_136 = vector.shape_cast %parallel_loop3A_135 : vector<1x16xf32> to vector<16xf32>
        %parallel_loop3A_137 = vector.shape_cast %parallel_loop3A_132 : vector<16xf32> to vector<1x16xf32>
        tpu.vector_store %arg6[%parallel_loop3A_133, %parallel_loop3A_134], %parallel_loop3A_137 {strides = array<i32>} : memref<800x64xf32, #tpu.memory_space<vmem>>, vector<1x16xf32>,
      } {sc.loop_unroll_factor = 8 : i64, sc.parallel_access}
      %mul3A_49 = arith.constant 32 : i32
      %mul3A_50 = arith.muli %add3A, %mul3A_49 : i32
      %add3A_51 = arith.addi %mul3A_50, %add3A_35 : i32
      %mul3A_52 = arith.constant 800 : i32
      %mul3A_53 = arith.muli %add3A_51, %mul3A_52 : i32
      %dma_start3A_54 = arith.constant 0 : i32
      %dma_start3A_55 = tpu.memref_slice %arg4[%mul3A_53, %dma_start3A_54] : memref<819200x64xf32, #tpu.memory_space<hbm>> -> memref<800x64xf32, #tpu.memory_space<hbm>>
      %dma_start3A_56 = arith.constant 0 : i32
      %dma_start3A_57 = tpu.memref_slice %arg4[%mul3A_53, %dma_start3A_56] : memref<819200x64xf32, #tpu.memory_space<hbm>> -> memref<800x64xf32, #tpu.memory_space<hbm>>
      tpu.enqueue_dma source(%arg6 : memref<800x64xf32, #tpu.memory_space<vmem>>) target(%dma_start3A_57 : memref<800x64xf32, #tpu.memory_space<hbm>>) target_semaphore(%arg10 : memref<!tpu.dma_semaphore, #tpu.memory_space<semaphore_mem>>)
      %mul3A_58 = arith.constant 2 : i32
      %mul3A_59 = arith.muli %mul3A_58, %scan3A_30 : i32
      %add3A_60 = arith.constant 1 : i32
      %add3A_61 = arith.addi %mul3A_59, %add3A_60 : i32
      %add3A_62 = arith.constant 1 : i32
      %add3A_63 = arith.addi %add3A_61, %add3A_62 : i32
      %lt3A_64 = arith.constant 32 : i32
      %lt3A_65 = arith.cmpi slt, %add3A_63, %lt3A_64 : i32
      %convert_element_type3A_66 = arith.extui %lt3A_65 : i1 to i32
      %cond3A_67 = arith.constant 0 : i32
      %cond3A_68 = arith.cmpi ne, %convert_element_type3A_66, %cond3A_67 : i32
      scf.if %cond3A_68 {
        %ge3A = arith.constant 1 : i32
        %ge3A_89 = arith.cmpi sge, %add3A_61, %ge3A : i32
        %convert_element_type3A_90 = arith.extui %ge3A_89 : i1 to i32
        %cond3A_91 = arith.constant 0 : i32
        %cond3A_92 = arith.cmpi ne, %convert_element_type3A_90, %cond3A_91 : i32
        scf.if %cond3A_92 {
          %mul3A_101 = arith.constant 32 : i32
          %mul3A_102 = arith.muli %add3A, %mul3A_101 : i32
          %mul3A_103 = arith.constant 800 : i32
          %mul3A_104 = arith.muli %mul3A_102, %mul3A_103 : i32
          %dma_wait3A_105 = arith.constant 0 : i32
          %dma_wait3A_106 = tpu.memref_slice %arg4[%mul3A_104, %dma_wait3A_105] : memref<819200x64xf32, #tpu.memory_space<hbm>> -> memref<800x64xf32, #tpu.memory_space<hbm>>
          %dma_wait3A_107 = arith.constant 0 : i32
          %dma_wait3A_108 = tpu.memref_slice %arg4[%mul3A_104, %dma_wait3A_107] : memref<819200x64xf32, #tpu.memory_space<hbm>> -> memref<800x64xf32, #tpu.memory_space<hbm>>
          tpu.wait_dma2 semaphore(%arg10 : memref<!tpu.dma_semaphore, #tpu.memory_space<semaphore_mem>>) src(%arg6 : memref<800x64xf32, #tpu.memory_space<vmem>>) dst(%dma_wait3A_108 : memref<800x64xf32, #tpu.memory_space<hbm>>)
        } else {
        }
        %add3A_93 = arith.constant 1 : i32
        %add3A_94 = arith.addi %add3A_61, %add3A_93 : i32
        %dma_start3A_95 = arith.constant 0 : i32
        %dma_start3A_96 = tpu.memref_slice %arg5[%add3A_94, %dma_start3A_95] : memref<32x800xi32, #tpu.memory_space<vmem>> -> memref<1x800xi32, #tpu.memory_space<vmem>>
        %dma_start3A_97 = tpu.memref_squeeze %dma_start3A_96 : memref<1x800xi32, #tpu.memory_space<vmem>> -> memref<800xi32, #tpu.memory_space<vmem>>
        %dma_start3A_98 = arith.constant 0 : i32
        %dma_start3A_99 = arith.constant 0 : i32
        %dma_start3A_100 = tpu.memref_slice %arg3[%dma_start3A_98, %dma_start3A_99] : memref<1000000x64xf32, #tpu.memory_space<hbm>> -> memref<1000000x64xf32, #tpu.memory_space<hbm>>
        tpu.enqueue_indirect_dma source(%dma_start3A_100 : memref<1000000x64xf32, #tpu.memory_space<hbm>>) target(%arg6 : memref<800x64xf32, #tpu.memory_space<vmem>>) offsets(%dma_start3A_97 : memref<800xi32, #tpu.memory_space<vmem>>) semaphore(%arg8 : memref<!tpu.dma_semaphore, #tpu.memory_space<semaphore_mem>>)
      } else {
      }
      %dma_wait3A_69 = arith.constant 0 : i32
      %dma_wait3A_70 = arith.constant 0 : i32
      %dma_wait3A_71 = tpu.memref_slice %arg5[%dma_wait3A_69, %dma_wait3A_70] : memref<32x800xi32, #tpu.memory_space<vmem>> -> memref<1x800xi32, #tpu.memory_space<vmem>>
      %dma_wait3A_72 = tpu.memref_squeeze %dma_wait3A_71 : memref<1x800xi32, #tpu.memory_space<vmem>> -> memref<800xi32, #tpu.memory_space<vmem>>
      %dma_wait3A_73 = arith.constant 0 : i32
      %dma_wait3A_74 = arith.constant 0 : i32
      %dma_wait3A_75 = tpu.memref_slice %arg3[%dma_wait3A_73, %dma_wait3A_74] : memref<1000000x64xf32, #tpu.memory_space<hbm>> -> memref<1000000x64xf32, #tpu.memory_space<hbm>>
      tpu.wait_indirect_dma semaphore(%arg9 : memref<!tpu.dma_semaphore, #tpu.memory_space<semaphore_mem>>) src(%dma_wait3A_75 : memref<1000000x64xf32, #tpu.memory_space<hbm>>) dst(%arg7 : memref<800x64xf32, #tpu.memory_space<vmem>>)
      %parallel_loop3A_76 = arith.constant 0 : i32
      %parallel_loop3A_77 = arith.constant 800 : i32
      %parallel_loop3A_78 = arith.constant 1 : i32
      scf.for %parallel_loop3A_89 = %parallel_loop3A_76 to %parallel_loop3A_77 step %parallel_loop3A_78  : i32 {
        %parallel_loop3A_90 = arith.index_cast %parallel_loop3A_89 : i32 to index
        %parallel_loop3A_91 = arith.constant 0 : index
        %parallel_loop3A_92 = tpu.vector_load %arg7[%parallel_loop3A_90, %parallel_loop3A_91] {strides = array<i32>} : memref<800x64xf32, #tpu.memory_space<vmem>>, vector<1x16xf32>,
        %parallel_loop3A_93 = vector.shape_cast %parallel_loop3A_92 : vector<1x16xf32> to vector<16xf32>
        %parallel_loop3A_94 = arith.constant 8.000000e+00 : f32
        %parallel_loop3A_95 = vector.broadcast %parallel_loop3A_94 : f32 to vector<16xf32>
        %parallel_loop3A_96 = arith.mulf %parallel_loop3A_93, %parallel_loop3A_95 : vector<16xf32>
        %parallel_loop3A_97 = arith.index_cast %parallel_loop3A_89 : i32 to index
        %parallel_loop3A_98 = arith.constant 0 : index
        %parallel_loop3A_99 = tpu.vector_load %arg7[%parallel_loop3A_97, %parallel_loop3A_98] {strides = array<i32>} : memref<800x64xf32, #tpu.memory_space<vmem>>, vector<1x16xf32>,
        %parallel_loop3A_100 = vector.shape_cast %parallel_loop3A_99 : vector<1x16xf32> to vector<16xf32>
        %parallel_loop3A_101 = vector.shape_cast %parallel_loop3A_96 : vector<16xf32> to vector<1x16xf32>
        tpu.vector_store %arg7[%parallel_loop3A_97, %parallel_loop3A_98], %parallel_loop3A_101 {strides = array<i32>} : memref<800x64xf32, #tpu.memory_space<vmem>>, vector<1x16xf32>,
        %parallel_loop3A_102 = arith.index_cast %parallel_loop3A_89 : i32 to index
        %parallel_loop3A_103 = arith.constant 16 : index
        %parallel_loop3A_104 = tpu.vector_load %arg7[%parallel_loop3A_102, %parallel_loop3A_103] {strides = array<i32>} : memref<800x64xf32, #tpu.memory_space<vmem>>, vector<1x16xf32>,
        %parallel_loop3A_105 = vector.shape_cast %parallel_loop3A_104 : vector<1x16xf32> to vector<16xf32>
        %parallel_loop3A_106 = arith.constant 8.000000e+00 : f32
        %parallel_loop3A_107 = vector.broadcast %parallel_loop3A_106 : f32 to vector<16xf32>
        %parallel_loop3A_108 = arith.mulf %parallel_loop3A_105, %parallel_loop3A_107 : vector<16xf32>
        %parallel_loop3A_109 = arith.index_cast %parallel_loop3A_89 : i32 to index
        %parallel_loop3A_110 = arith.constant 16 : index
        %parallel_loop3A_111 = tpu.vector_load %arg7[%parallel_loop3A_109, %parallel_loop3A_110] {strides = array<i32>} : memref<800x64xf32, #tpu.memory_space<vmem>>, vector<1x16xf32>,
        %parallel_loop3A_112 = vector.shape_cast %parallel_loop3A_111 : vector<1x16xf32> to vector<16xf32>
        %parallel_loop3A_113 = vector.shape_cast %parallel_loop3A_108 : vector<16xf32> to vector<1x16xf32>
        tpu.vector_store %arg7[%parallel_loop3A_109, %parallel_loop3A_110], %parallel_loop3A_113 {strides = array<i32>} : memref<800x64xf32, #tpu.memory_space<vmem>>, vector<1x16xf32>,
        %parallel_loop3A_114 = arith.index_cast %parallel_loop3A_89 : i32 to index
        %parallel_loop3A_115 = arith.constant 32 : index
        %parallel_loop3A_116 = tpu.vector_load %arg7[%parallel_loop3A_114, %parallel_loop3A_115] {strides = array<i32>} : memref<800x64xf32, #tpu.memory_space<vmem>>, vector<1x16xf32>,
        %parallel_loop3A_117 = vector.shape_cast %parallel_loop3A_116 : vector<1x16xf32> to vector<16xf32>
        %parallel_loop3A_118 = arith.constant 8.000000e+00 : f32
        %parallel_loop3A_119 = vector.broadcast %parallel_loop3A_118 : f32 to vector<16xf32>
        %parallel_loop3A_120 = arith.mulf %parallel_loop3A_117, %parallel_loop3A_119 : vector<16xf32>
        %parallel_loop3A_121 = arith.index_cast %parallel_loop3A_89 : i32 to index
        %parallel_loop3A_122 = arith.constant 32 : index
        %parallel_loop3A_123 = tpu.vector_load %arg7[%parallel_loop3A_121, %parallel_loop3A_122] {strides = array<i32>} : memref<800x64xf32, #tpu.memory_space<vmem>>, vector<1x16xf32>,
        %parallel_loop3A_124 = vector.shape_cast %parallel_loop3A_123 : vector<1x16xf32> to vector<16xf32>
        %parallel_loop3A_125 = vector.shape_cast %parallel_loop3A_120 : vector<16xf32> to vector<1x16xf32>
        tpu.vector_store %arg7[%parallel_loop3A_121, %parallel_loop3A_122], %parallel_loop3A_125 {strides = array<i32>} : memref<800x64xf32, #tpu.memory_space<vmem>>, vector<1x16xf32>,
        %parallel_loop3A_126 = arith.index_cast %parallel_loop3A_89 : i32 to index
        %parallel_loop3A_127 = arith.constant 48 : index
        %parallel_loop3A_128 = tpu.vector_load %arg7[%parallel_loop3A_126, %parallel_loop3A_127] {strides = array<i32>} : memref<800x64xf32, #tpu.memory_space<vmem>>, vector<1x16xf32>,
        %parallel_loop3A_129 = vector.shape_cast %parallel_loop3A_128 : vector<1x16xf32> to vector<16xf32>
        %parallel_loop3A_130 = arith.constant 8.000000e+00 : f32
        %parallel_loop3A_131 = vector.broadcast %parallel_loop3A_130 : f32 to vector<16xf32>
        %parallel_loop3A_132 = arith.mulf %parallel_loop3A_129, %parallel_loop3A_131 : vector<16xf32>
        %parallel_loop3A_133 = arith.index_cast %parallel_loop3A_89 : i32 to index
        %parallel_loop3A_134 = arith.constant 48 : index
        %parallel_loop3A_135 = tpu.vector_load %arg7[%parallel_loop3A_133, %parallel_loop3A_134] {strides = array<i32>} : memref<800x64xf32, #tpu.memory_space<vmem>>, vector<1x16xf32>,
        %parallel_loop3A_136 = vector.shape_cast %parallel_loop3A_135 : vector<1x16xf32> to vector<16xf32>
        %parallel_loop3A_137 = vector.shape_cast %parallel_loop3A_132 : vector<16xf32> to vector<1x16xf32>
        tpu.vector_store %arg7[%parallel_loop3A_133, %parallel_loop3A_134], %parallel_loop3A_137 {strides = array<i32>} : memref<800x64xf32, #tpu.memory_space<vmem>>, vector<1x16xf32>,
      } {sc.loop_unroll_factor = 8 : i64, sc.parallel_access}
      %mul3A_79 = arith.constant 32 : i32
      %mul3A_80 = arith.muli %add3A, %mul3A_79 : i32
      %add3A_81 = arith.addi %mul3A_80, %add3A_61 : i32
      %mul3A_82 = arith.constant 800 : i32
      %mul3A_83 = arith.muli %add3A_81, %mul3A_82 : i32
      %dma_start3A_84 = arith.constant 0 : i32
      %dma_start3A_85 = tpu.memref_slice %arg4[%mul3A_83, %dma_start3A_84] : memref<819200x64xf32, #tpu.memory_space<hbm>> -> memref<800x64xf32, #tpu.memory_space<hbm>>
      %dma_start3A_86 = arith.constant 0 : i32
      %dma_start3A_87 = tpu.memref_slice %arg4[%mul3A_83, %dma_start3A_86] : memref<819200x64xf32, #tpu.memory_space<hbm>> -> memref<800x64xf32, #tpu.memory_space<hbm>>
      tpu.enqueue_dma source(%arg7 : memref<800x64xf32, #tpu.memory_space<vmem>>) target(%dma_start3A_87 : memref<800x64xf32, #tpu.memory_space<hbm>>) target_semaphore(%arg11 : memref<!tpu.dma_semaphore, #tpu.memory_space<semaphore_mem>>)
      %scan3A_88 = arith.constant 0 : i32
      scf.yield %scan3A_88 : i32
    }
    %scan3A_14 = arith.constant 16 : i32
    %mul3A_15 = arith.constant 32 : i32
    %mul3A_16 = arith.muli %add3A, %mul3A_15 : i32
    %mul3A_17 = arith.constant 800 : i32
    %mul3A_18 = arith.muli %mul3A_16, %mul3A_17 : i32
    %dma_wait3A = arith.constant 0 : i32
    %dma_wait3A_19 = tpu.memref_slice %arg4[%mul3A_18, %dma_wait3A] : memref<819200x64xf32, #tpu.memory_space<hbm>> -> memref<800x64xf32, #tpu.memory_space<hbm>>
    %dma_wait3A_20 = arith.constant 0 : i32
    %dma_wait3A_21 = tpu.memref_slice %arg4[%mul3A_18, %dma_wait3A_20] : memref<819200x64xf32, #tpu.memory_space<hbm>> -> memref<800x64xf32, #tpu.memory_space<hbm>>
    tpu.wait_dma2 semaphore(%arg10 : memref<!tpu.dma_semaphore, #tpu.memory_space<semaphore_mem>>) src(%arg6 : memref<800x64xf32, #tpu.memory_space<vmem>>) dst(%dma_wait3A_21 : memref<800x64xf32, #tpu.memory_space<hbm>>)
    %mul3A_22 = arith.constant 32 : i32
    %mul3A_23 = arith.muli %add3A, %mul3A_22 : i32
    %mul3A_24 = arith.constant 800 : i32
    %mul3A_25 = arith.muli %mul3A_23, %mul3A_24 : i32
    %dma_wait3A_26 = arith.constant 0 : i32
    %dma_wait3A_27 = tpu.memref_slice %arg4[%mul3A_25, %dma_wait3A_26] : memref<819200x64xf32, #tpu.memory_space<hbm>> -> memref<800x64xf32, #tpu.memory_space<hbm>>
    %dma_wait3A_28 = arith.constant 0 : i32
    %dma_wait3A_29 = tpu.memref_slice %arg4[%mul3A_25, %dma_wait3A_28] : memref<819200x64xf32, #tpu.memory_space<hbm>> -> memref<800x64xf32, #tpu.memory_space<hbm>>
    tpu.wait_dma2 semaphore(%arg11 : memref<!tpu.dma_semaphore, #tpu.memory_space<semaphore_mem>>) src(%arg7 : memref<800x64xf32, #tpu.memory_space<vmem>>) dst(%dma_wait3A_29 : memref<800x64xf32, #tpu.memory_space<hbm>>)
    return
  }
}

</mosaic_0001>

<sc_bundles>
// kernel: kernel.3.cloned.1.call-start
scs
__scs_entry_jumppad:
0x0: {  	(pc) =	sbr.rel $0x88, $3  }
0x1: {  	(tag) =	ssettag $0x0;
	lr =	simm.s32 $0x1  }
0x2: {  	[smem:$0x3F9F] =	sst lr;
	_ =	strace $0xD0000000  }
0x3: {  	_ = 	snop  }
0x4: {  	_ = 	snop  }
0x5: {  	_ = 	snop  }
0x6: {  	_ = 	snop  }
0x7: {  	_ = 	snop  }
__scs_overlays_trampoline_lowered:
0x8: {  	[smem:$0x3FAE] =	sst s0  }
0x9: {  	[smem:$0x3FAF] =	sst s1  }
0xa: {  	[smem:$0x3FB0] =	sst s2  }
0xb: {  	[smem:$0x3FB1] =	sst s3  }
0xc: {  	[smem:$0x3FB2] =	sst s4  }
0xd: {  	[smem:$0x3FB3] =	sst s5  }
0xe: {  	[smem:$0x3FB4] =	sst s6  }
0xf: {  	[smem:$0x3FB5] =	sst s7  }
0x10: {  	[smem:$0x3FB6] =	sst s8  }
0x11: {  	[smem:$0x3FB7] =	sst s9;
	s0 =	simm.s32 @!p0 $0x0  }
0x12: {  	s1 =	sld [smem:$0x3F9D];
	s0 =	simm.s32 @p0 $0x1  }
0x13: {  	[smem:$0x3FB8] =	sst s0;
	s0 =	simm.s32 @!p1 $0x0  }
0x14: {  	s2 =	sld [smem:$0x3F9C];
	s0 =	simm.s32 @p1 $0x1  }
0x15: {  	[smem:$0x3FB9] =	sst s0;
	s0 =	simm.s32 @!p2 $0x0  }
0x16: {  	s3 =	sld [smem:$0x3FDB];
	s0 =	simm.s32 @p2 $0x1  }
0x17: {  	s4 =	simm.s32 $0x1BF5;
	[smem:$0x3FBB] =	sst s0  }
0x18: {  	s0 =	sld [smem:$0x3F9E];
	_ =	swait.ge [sflag:s4], $0x0  }
0x19: {  	s7 =	sld [smem:$0x3F9F]  }
0x1a: {  	s8 =	sadd.s32 $0xFFFFE003, lr  }
0x1b: {  	s9 =	sadd.s32 $0xFFFFFEF7, lr;
	s5 =	simm.s32 $0xFFFFFFFF;
	p2 =	slt.u32 s8, $0xFFFFF086  }
0x1c: {  	p1 =	slt.u32 s9, $0xF7A;
	s5 =	simm.s32 @!p2 $0x0  }
0x1d: {  	s5 =	simm.s32 @p1 $0x1;
	p0 =	seq.s32 s7, s2  }
0x1e: {  	s7 =	smul.u32 @!p0 $0xF7A, s2;
	p2 =	seq.s32 @!p0 s5, $0x0  }
0x1f: {  	s9 =	smul.u32 $0xF7A, s1;
	s8 =	simm.s32 @!p0 $0x1BF5;
	p2 =	por !p2, p0  }
0x20: {  	[sflag:s8] =	ssyncset.s32 @!p0 $0xFFFFF086;
	s6 =	sadd.s32 @!p0 s3, s7;
	s7 =	simm.s32 @!p0 $0x108  }
0x21: {  	s3 =	sadd.s32 s3, s9;
	s6 =	sadd.s32 @!p0 $0x88, s6;
	s7 =	simm.s32 @p2 $0x1082  }
0x22: {  	[simem:s7], [sflag:s8] =	dma.local @!p0 [hbm:s6], $0xF7A  }
0x23: {  	s9 =	sor.u32 $0xD0000000, s2;
	s6 =	simm.s32 $0x108;
	_ =	swait.ge @!p0 [sflag:s8], $0x0  }
0x24: {  	s3 =	sadd.s32 $0x88, s3;
	s6 =	simm.s32 @!p1 $0x1082;
	[sflag:s4] =	ssyncset.s32 $0xFFFFF086  }
0x25: {  	[simem:s6], [sflag:s4] =	dma.local [hbm:s3], $0xF7A  }
0x26: {  	[smem:$0x3F9F] =	sst s1;
	(tag) =	ssettag s2;
	_ =	strace s9  }
0x27: {  	s1 =	sld [smem:$0x3FAF]  }
0x28: {  	s2 =	sld [smem:$0x3FB0]  }
0x29: {  	s4 =	sld [smem:$0x3FB2]  }
0x2a: {  	p0 =	seq.s32 s5, $0x0;
	s5 =	sld [smem:$0x3FB3]  }
0x2b: {  	s6 =	sld [smem:$0x3FB4]  }
0x2c: {  	s7 =	sld [smem:$0x3FB5]  }
0x2d: {  	s3 =	simm.s32 $0x108;
	s8 =	sld [smem:$0x3FB6]  }
0x2e: {  	s3 =	simm.s32 @!p0 $0x1082;
	s9 =	sld [smem:$0x3FB7]  }
0x2f: {  	lr =	sadd.s32 s0, s3;
	s0 =	sld [smem:$0x3FAE]  }
0x30: {  	s3 =	sld [smem:$0x3FB1]  }
0x31: {  	[smem:$0x3FBA] =	sst s10  }
0x32: {  	s10 =	sld [smem:$0x3FB8];
	_ =	sdelay $0x3  }
0x33: {  	p0 =	seq.s32 s10, $0x1;
	s10 =	sld [smem:$0x3FBA];
	_ =	sdelay $0x3  }
0x34: {  	[smem:$0x3FBA] =	sst s10  }
0x35: {  	s10 =	sld [smem:$0x3FB9];
	_ =	sdelay $0x3  }
0x36: {  	p1 =	seq.s32 s10, $0x1;
	s10 =	sld [smem:$0x3FBA];
	_ =	sdelay $0x3  }
0x37: {  	[smem:$0x3FBA] =	sst s10  }
0x38: {  	s10 =	sld [smem:$0x3FBB]  }
0x39: {  	_ = 	snop;
	(pc) =	sbr.ind lr, $3  }
0x3a: {  	_ = 	snop  }
0x3b: {  	_ = 	snop  }
0x3c: {  	p2 =	seq.s32 s10, $0x1;
	s10 =	sld [smem:$0x3FBA]  }
0x3d: {  	_ =	shalt  }
0x3e: {  	_ =	shalt  }
0x3f: {  	_ =	shalt  }
0x40: {  	_ =	shalt  }
0x41: {  	_ =	shalt  }
0x42: {  	_ =	shalt  }
0x43: {  	_ =	shalt  }
0x44: {  	_ =	shalt  }
0x45: {  	_ =	shalt  }
0x46: {  	_ =	shalt  }
0x47: {  	_ =	shalt  }
0x48: {  	_ =	shalt  }
0x49: {  	_ =	shalt  }
0x4a: {  	_ =	shalt  }
0x4b: {  	_ =	shalt  }
0x4c: {  	_ =	shalt  }
0x4d: {  	_ =	shalt  }
0x4e: {  	_ =	shalt  }
0x4f: {  	_ =	shalt  }
0x50: {  	_ =	shalt  }
0x51: {  	_ =	shalt  }
0x52: {  	_ =	shalt  }
0x53: {  	_ =	shalt  }
0x54: {  	_ =	shalt  }
0x55: {  	_ =	shalt  }
0x56: {  	_ =	shalt  }
0x57: {  	_ =	shalt  }
0x58: {  	_ =	shalt  }
0x59: {  	_ =	shalt  }
0x5a: {  	_ =	shalt  }
0x5b: {  	_ =	shalt  }
0x5c: {  	_ =	shalt  }
0x5d: {  	_ =	shalt  }
0x5e: {  	_ =	shalt  }
0x5f: {  	_ =	shalt  }
0x60: {  	_ =	shalt  }
0x61: {  	_ =	shalt  }
0x62: {  	_ =	shalt  }
0x63: {  	_ =	shalt  }
0x64: {  	_ =	shalt  }
0x65: {  	_ =	shalt  }
0x66: {  	_ =	shalt  }
0x67: {  	_ =	shalt  }
0x68: {  	_ =	shalt  }
0x69: {  	_ =	shalt  }
0x6a: {  	_ =	shalt  }
0x6b: {  	_ =	shalt  }
0x6c: {  	_ =	shalt  }
0x6d: {  	_ =	shalt  }
0x6e: {  	_ =	shalt  }
0x6f: {  	_ =	shalt  }
0x70: {  	_ =	shalt  }
0x71: {  	_ =	shalt  }
0x72: {  	_ =	shalt  }
0x73: {  	_ =	shalt  }
0x74: {  	_ =	shalt  }
0x75: {  	_ =	shalt  }
0x76: {  	_ =	shalt  }
0x77: {  	_ =	shalt  }
0x78: {  	_ =	shalt  }
0x79: {  	_ =	shalt  }
0x7a: {  	_ =	shalt  }
0x7b: {  	_ =	shalt  }
0x7c: {  	_ =	shalt  }
0x7d: {  	_ =	shalt  }
0x7e: {  	_ =	shalt  }
0x7f: {  	_ =	shalt  }
0x80: {  	_ =	shalt  }
0x81: {  	_ =	shalt  }
0x82: {  	_ =	shalt  }
0x83: {  	_ =	shalt  }
0x84: {  	_ =	shalt  }
0x85: {  	_ =	shalt  }
0x86: {  	_ =	shalt  }
0x87: {  	_ =	shalt  }
.Lfunc_end0:
.L_simem_size_0:
called_computation.1_lowered:
.L_overlay_start_0:
0x88: {  	s2 =	sld [smem:$0x3FD9]  }
0x89: {  	s3 =	sld [smem:$0x3FFE];
	_ =	sdelay $0x1  }
0x8a: {  	s1 =	srdreg.scid  }
0x8b: {  	s0 =	sand.u32 $0x1, s1  }
0x8c: {  	s17 =	sshll.u32 s0, $0xA;
	s2 =	sadd.s32 s3, s2  }
0x8d: {  	s2 =	sadd.s32 s2, s17  }
0x8e: {  	[smem:$0x3FC6] =	sst s2  }
0x8f: {  	_ = 	snop  }
0x90: {  	s2 =	sld [smem:$0x3FD0];
	(tm) =	ssettm $0x1  }
0x91: {  	s18 =	sld [smem:$0x3FFB];
	_ =	sdelay $0x3  }
0x92: {  	_ =	strace s18  }
0x93: {  	s3 =	sld [smem:$0x3FFC];
	_ =	sdelay $0x3  }
0x94: {  	_ =	strace s3  }
0x95: {  	s3 =	sld [smem:$0x3FFD];
	_ =	sdelay $0x3  }
0x96: {  	_ =	strace s3  }
0x97: {  	_ =	strace $0x8FFFFFFF  }
0x98: {  	s19 =	sld [smem:$0x3FDB];
	_ =	sdelay $0x1  }
0x99: {  	s4 =	simm.s32 $_scs_section_size  }
0x9a: {  	s5 =	simm.s32 $_size__tile_overlayer_lowered;
	s6 =	simm.s32 $_tile_overlayer_lowered  }
0x9b: {  	s22 =	simm.s32 $0x1BFF;
	s21 =	sshll.u32 s6, $0x1;
	s3 =	sadd.s32 s4, s19  }
0x9c: {  	s7 =	simm.s32 $0x0;
	s20 =	sshll.u32 s5, $0x1;
	s5 =	sadd.s32 s21, s3  }
0x9d: {  	[timem:s7], [sflag:s22] =	dma.local [hbm:s5], s20  }
0x9e: {  	_ =	swait.ge [sflag:s22], s20  }
0x9f: {  	s4 =	ssub.s32 $0x0, s20;
	[sflag:s22] =	ssyncset.done $0x0  }
0xa0: {  	[sflag:s22] =	ssyncadd.s32 s4;
	_ =	sdelay $0x1  }
0xa1: {  	s23 =	simm.s32 $0x1B8B  }
0xa2: {  	_ =	swait.ge [sflag:s23], $0x1  }
0xa3: {  	[sflag:s23] =	ssyncset.done $0x0  }
0xa4: {  	s25 =	simm.s32 $0x1B8E;
	s24 =	sld [smem:$0x3FFE];
	[sflag:s23] =	ssyncadd.s32 $0xFFFFFFFF  }
0xa5: {  	s26 =	simm.s32 $execute0_lowered;
	[smem:$0x3FD2] =	sst s25  }
0xa6: {  	s5 =	sshll.u32 s26, $0x1;
	_ =	strace $0x80000046;
	[dreg:$0x1] =	wrdreg $0xFFFFFFFF  }
0xa7: {  	s28 =	simm.s32 $_size_execute0_lowered;
	s3 =	sadd.s32 s3, s5;
	[dreg:$0x0] =	wrdreg $0x0  }
0xa8: {  	s5 =	sshll.u32 s28, $0x1;
	[dreg:$0x2] =	wrdreg s3  }
0xa9: {  	[dreg:$0x3] =	wrdreg s5  }
0xaa: {  	[dreg:$0x4] =	wrdreg $0xC0  }
0xab: {  	_ =	task [dreg:s7], $0x5FFFF  }
0xac: {  	[dreg:$0x1] =	wrdreg $0xFFFFFFFF  }
0xad: {  	[dreg:$0x0] =	wrdreg $0x60  }
0xae: {  	[dreg:$0x2] =	wrdreg s24  }
0xaf: {  	[dreg:$0x3] =	wrdreg s2  }
0xb0: {  	[dreg:$0x4] =	wrdreg $0x9  }
0xb1: {  	_ =	task.clear_ibuf [dreg:s7], $0x5FFFF;
	_ =	strace $0x90000046  }
0xb2: {  	s29 =	simm.s32 $0x9;
	_ =	strace $0x80000048  }
0xb3: {  	_ =	swait.ge [sflag:s29], $0x1  }
0xb4: {  	[sflag:s29] =	ssyncadd.s32 $0xFFFFFFFF  }
0xb5: {  	_ =	strace $0x90000048  }
0xb6: {  	_ =	sfence  }
0xb7: {  	s30 =	sld [smem:$0x0];
	_ =	sdelay $0x2  }
0xb8: {  	s31 =	sshll.u32 s1, $0xD;
	s1 =	sshrl.u32 s1, $0x2  }
0xb9: {  	s3 =	sand.u32 $0x4000, s31;
	s1 =	sadd.s32 s1, s30  }
0xba: {  	s0 =	sor.u32 s3, s0;
	s1 =	sshll.u32 s1, $0x11  }
0xbb: {  	s0 =	sor.u32 s1, s0  }
0xbc: {  	s0 =	sadd.s32 $0x8F2B, s0  }
0xbd: {  	[sflag:s0] =	ssyncadd.remote.s32 $0x1  }
0xbe: {  	_ =	sfence.sel $0xFFFF  }
0xbf: {  	[dreg:$0x0] =	wrdreg $0xFFFFFFFF;
	(pc) =	sbr.abs _section_cstart, $3  }
0xc0: {  	[dreg:$0x1] =	wrdreg $0xFFFFFFFF  }
0xc1: {  	_ =	task.clear_ibuf [dreg:s7], $0x2FFFF;
	_ =	strace $0x9FFFFFFF  }
0xc2: {  	(tm) =	ssettm $0x7FFFFFFF  }
0xc3: {  	_ =	shalt  }
tec
execute0_lowered:
.L_overlay_start_1:
0x0: {  	(tag) =	ssettag $0x1  }
0x1: {  	s1 =	srdreg.scid;
	s5 =	rddreg [dreg:$0x0]  }
0x2: {  	s0 =	stileid.u32;
	s2 =	rddreg [dreg:$0x1];
	s9 =	simm.s32 $0x320  }
0x3: {  	s10 =	simm.s32 $0x6400;
	s11 =	simm.s32 $0x12C00;
	s12 =	simm.s32 $0x1  }
0x4: {  	s13 =	simm.s32 $0x2;
	s14 =	simm.s32 $0x3;
	s6 =	sand.u32 $0x1, s1  }
0x5: {  	s15 =	simm.s32 $0x4;
	s3 =	sshll.u32 s0, $0x6;
	s4 =	sshll.u32 s6, $0x5  }
0x6: {  	s1 =	rddreg [dreg:$0x2];
	s6 =	ssub.s32 $0x2, s6;
	s3 =	sor.u32 s4, s3  }
0x7: {  	s4 =	simm.s32 $0x0;
	s8 =	sshrl.u32 s6, $0x1;
	s7 =	smul.u32 $0x64, s3  }
0x8: {  	s16 =	simm.s32 $0x0;
	[smem:$0x7FF] =	sst s4;
	s8 =	ssub.s32 s6, s8  }
0x9: {  	_ =	strace $0x80000047;
	s7 =	sadd.s32 s7, s5;
	s5 =	sadd.s32 $0xF42E00, s5  }
0xa: {  	s6 =	sadd.s32 $0xA00, s7;
	s7 =	smax.u32 s8, $0x1;
	s8 =	simm.s32 $0x5  }
.LBB2_1:
0xb: {  	[tilespmem:s4], [sflag:$0x5] =	stream.linear.gather [hbm4b:s6+s4], $0x6400, $0x38;
	[tilespmem:$0x1F400] =	vst v63  }
0xc: {  	_ =	swait.ge [sflag:s8], $0x6400  }
0xd: {  	[sflag:s8] =	ssyncset.done $0x0  }
0xe: {  	s17 =	simm.s32 $0x0;
	[sflag:s8] =	ssyncadd.s32 $0xFFFF9C00  }
0xf: {  	[tilespmem:s10], [sflag:$0x1] =	stream.indirect.gather [hbm4b:s5+s9], $0x40, s4, s9, $0xb8;
	[tilespmem:$0x1F400] =	vst v63  }
.LBB2_2:
0x10: {  	p0 =	seq.s32 s17, $0x0  }
0x11: {  	s18 =	sshllo.u32 s17, $0x1;
	s19 =	simm.s32 @!p0 $0x4  }
0x12: {  	s20 =	smul.u32 $0xC80, s18;
	_ =	swait.ge @!p0 [sflag:s19], $0xC800  }
0x13: {  	[sflag:s19] =	ssyncset.done @!p0 $0x0  }
0x14: {  	s31 =	sshra.s32 s20, $0x2;
	[sflag:s19] =	ssyncadd.s32 @!p0 $0xFFFF3800  }
0x15: {  	[tilespmem:s11], [sflag:$0x2] =	stream.indirect.gather [hbm4b:s5+s9], $0x40, s31, s9, $0xb8;
	[tilespmem:$0x1F400] =	vst v63  }
0x16: {  	_ =	swait.ge [sflag:s12], $0xC800  }
0x17: {  	[sflag:s12] =	ssyncset.done $0x0  }
0x18: {  	s19 =	simm.s32 $0x6500;
	[sflag:s12] =	ssyncadd.s32 $0xFFFF3800  }
0x19: {  	v0 =	vld [tilespmem:s19+$0xF0]  }
0x1a: {  	v1 =	vld [tilespmem:s19+$0xFFFFFF10]  }
0x1b: {  	v2 =	vld [tilespmem:s19+$0xFFFFFF20]  }
0x1c: {  	v3 =	vld [tilespmem:s19+$0xFFFFFF30]  }
0x1d: {  	v4 =	vld [tilespmem:s19+$0xFFFFFF40]  }
0x1e: {  	v5 =	vld [tilespmem:s19+$0xFFFFFF50];
	v0 =	vmul.f32 $8.000000000e+00, v0  }
0x1f: {  	v6 =	vld [tilespmem:s19+$0xFFFFFF60];
	v1 =	vmul.f32 $8.000000000e+00, v1  }
0x20: {  	v7 =	vld [tilespmem:s19+$0xFFFFFF70];
	v2 =	vmul.f32 $8.000000000e+00, v2;
	[tilespmem:s19+$0xF0] =	vst v0  }
0x21: {  	[tilespmem:s19+$0xFFFFFF10] =	vst v1;
	v0 =	vmul.f32 $8.000000000e+00, v3;
	v1 =	vld [tilespmem:s19+$0xFFFFFF80]  }
0x22: {  	[tilespmem:s19+$0xFFFFFF20] =	vst v2;
	v2 =	vmul.f32 $8.000000000e+00, v4;
	v3 =	vld [tilespmem:s19+$0xFFFFFF90]  }
0x23: {  	v4 =	vld [tilespmem:s19+$0xFFFFFFA0];
	[tilespmem:s19+$0xFFFFFF30] =	vst v0;
	v0 =	vmul.f32 $8.000000000e+00, v5  }
0x24: {  	[tilespmem:s19+$0xFFFFFF40] =	vst v2;
	v2 =	vmul.f32 $8.000000000e+00, v6;
	v5 =	vld [tilespmem:s19+$0xFFFFFFB0]  }
0x25: {  	v6 =	vld [tilespmem:s19+$0xFFFFFFC0];
	[tilespmem:s19+$0xFFFFFF50] =	vst v0;
	v0 =	vmul.f32 $8.000000000e+00, v7  }
0x26: {  	[tilespmem:s19+$0xFFFFFF60] =	vst v2;
	v2 =	vld [tilespmem:s19+$0xFFFFFFD0];
	v1 =	vmul.f32 $8.000000000e+00, v1  }
0x27: {  	[tilespmem:s19+$0xFFFFFF70] =	vst v0;
	v0 =	vmul.f32 $8.000000000e+00, v3;
	v3 =	vld [tilespmem:s19+$0xFFFFFFE0]  }
0x28: {  	[tilespmem:s19+$0xFFFFFF80] =	vst v1;
	v1 =	vmul.f32 $8.000000000e+00, v4;
	v4 =	vld [tilespmem:s19+$0xFFFFFFF0]  }
0x29: {  	[tilespmem:s19+$0xFFFFFF90] =	vst v0;
	v0 =	vmul.f32 $8.000000000e+00, v5;
	v5 =	vld [tilespmem:s19+$0x0]  }
0x2a: {  	[tilespmem:s19+$0xFFFFFFA0] =	vst v1;
	v1 =	vmul.f32 $8.000000000e+00, v6;
	v6 =	vld [tilespmem:s19+$0x10]  }
0x2b: {  	[tilespmem:s19+$0xFFFFFFB0] =	vst v0;
	v0 =	vmul.f32 $8.000000000e+00, v2;
	v2 =	vld [tilespmem:s19+$0x20]  }
0x2c: {  	[tilespmem:s19+$0xFFFFFFC0] =	vst v1;
	v1 =	vmul.f32 $8.000000000e+00, v3;
	v3 =	vld [tilespmem:s19+$0x30]  }
0x2d: {  	[tilespmem:s19+$0xFFFFFFD0] =	vst v0;
	v0 =	vmul.f32 $8.000000000e+00, v4;
	v4 =	vld [tilespmem:s19+$0x40]  }
0x2e: {  	[tilespmem:s19+$0xFFFFFFE0] =	vst v1;
	v1 =	vmul.f32 $8.000000000e+00, v5;
	v5 =	vld [tilespmem:s19+$0x50]  }
0x2f: {  	[tilespmem:s19+$0xFFFFFFF0] =	vst v0;
	v0 =	vmul.f32 $8.000000000e+00, v6;
	v6 =	vld [tilespmem:s19+$0x60]  }
0x30: {  	[tilespmem:s19+$0x0] =	vst v1;
	v1 =	vmul.f32 $8.000000000e+00, v2;
	v2 =	vld [tilespmem:s19+$0x70]  }
0x31: {  	[tilespmem:s19+$0x10] =	vst v0;
	v0 =	vmul.f32 $8.000000000e+00, v3;
	v3 =	vld [tilespmem:s19+$0x80]  }
0x32: {  	[tilespmem:s19+$0x20] =	vst v1;
	v1 =	vmul.f32 $8.000000000e+00, v4;
	v4 =	vld [tilespmem:s19+$0x90]  }
0x33: {  	v7 =	vld [tilespmem:s19+$0xA0];
	[tilespmem:s19+$0x30] =	vst v0;
	v5 =	vmul.f32 $8.000000000e+00, v5  }
0x34: {  	v0 =	vld [tilespmem:s19+$0xB0];
	[tilespmem:s19+$0x40] =	vst v1;
	v6 =	vmul.f32 $8.000000000e+00, v6  }
0x35: {  	v1 =	vld [tilespmem:s19+$0xC0];
	[tilespmem:s19+$0x50] =	vst v5;
	v5 =	vmul.f32 $8.000000000e+00, v2  }
0x36: {  	v2 =	vld [tilespmem:s19+$0xD0];
	[tilespmem:s19+$0x60] =	vst v6;
	v6 =	vmul.f32 $8.000000000e+00, v3  }
0x37: {  	v3 =	vld [tilespmem:s19+$0xE0];
	[tilespmem:s19+$0x70] =	vst v5;
	v5 =	vmul.f32 $8.000000000e+00, v4  }
0x38: {  	s21 =	simm.s32 $0x0;
	s22 =	simm.s32 $0x6700;
	s20 =	sshll.u32 s17, $0x1;
	v4 =	vld [tilespmem:s19+$0xFFFFFF00];
	[tilespmem:s19+$0x80] =	vst v6;
	v6 =	vmul.f32 $8.000000000e+00, v7  }
.LBB2_3:
0x39: {  	v7 =	vld [tilespmem:s22+$0xF0];
	s21 =	sadd.s32 $0x8, s21;
	[tilespmem:s19+$0x90] =	vst v5;
	v0 =	vmul.f32 $8.000000000e+00, v0  }
0x3a: {  	v5 =	vld [tilespmem:s22+$0xFFFFFF10];
	p0 =	slt.u32 s21, $0x318;
	[tilespmem:s19+$0xA0] =	vst v6;
	v1 =	vmul.f32 $8.000000000e+00, v1  }
0x3b: {  	v6 =	vld [tilespmem:s22+$0xFFFFFF20];
	[tilespmem:s19+$0xB0] =	vst v0;
	v0 =	vmul.f32 $8.000000000e+00, v2  }
0x3c: {  	v2 =	vld [tilespmem:s22+$0xFFFFFF30];
	[tilespmem:s19+$0xC0] =	vst v1;
	v1 =	vmul.f32 $8.000000000e+00, v3  }
0x3d: {  	v3 =	vld [tilespmem:s22+$0xFFFFFF40];
	v4 =	vmul.f32 $8.000000000e+00, v4;
	[tilespmem:s19+$0xD0] =	vst v0  }
0x3e: {  	v0 =	vld [tilespmem:s22+$0xFFFFFF50];
	v7 =	vmul.f32 $8.000000000e+00, v7;
	[tilespmem:s19+$0xE0] =	vst v1  }
0x3f: {  	v1 =	vmul.f32 $8.000000000e+00, v5;
	v5 =	vld [tilespmem:s22+$0xFFFFFF60];
	[tilespmem:s19+$0xFFFFFF00] =	vst v4;
	s19 =	smov.u32 s22  }
0x40: {  	v4 =	vmul.f32 $8.000000000e+00, v6;
	v6 =	vld [tilespmem:s22+$0xFFFFFF70];
	[tilespmem:s22+$0xF0] =	vst v7  }
0x41: {  	[tilespmem:s22+$0xFFFFFF10] =	vst v1;
	v1 =	vmul.f32 $8.000000000e+00, v2;
	v2 =	vld [tilespmem:s22+$0xFFFFFF80]  }
0x42: {  	[tilespmem:s22+$0xFFFFFF20] =	vst v4;
	v3 =	vmul.f32 $8.000000000e+00, v3;
	v4 =	vld [tilespmem:s22+$0xFFFFFF90]  }
0x43: {  	[tilespmem:s22+$0xFFFFFF30] =	vst v1;
	v0 =	vmul.f32 $8.000000000e+00, v0;
	v1 =	vld [tilespmem:s22+$0xFFFFFFA0]  }
0x44: {  	[tilespmem:s22+$0xFFFFFF40] =	vst v3;
	v3 =	vmul.f32 $8.000000000e+00, v5;
	v5 =	vld [tilespmem:s22+$0xFFFFFFB0]  }
0x45: {  	[tilespmem:s22+$0xFFFFFF50] =	vst v0;
	v0 =	vmul.f32 $8.000000000e+00, v6;
	v6 =	vld [tilespmem:s22+$0xFFFFFFC0]  }
0x46: {  	[tilespmem:s22+$0xFFFFFF60] =	vst v3;
	v2 =	vmul.f32 $8.000000000e+00, v2;
	v3 =	vld [tilespmem:s22+$0xFFFFFFD0]  }
0x47: {  	[tilespmem:s22+$0xFFFFFF70] =	vst v0;
	v0 =	vmul.f32 $8.000000000e+00, v4;
	v4 =	vld [tilespmem:s22+$0xFFFFFFE0]  }
0x48: {  	[tilespmem:s22+$0xFFFFFF80] =	vst v2;
	v1 =	vmul.f32 $8.000000000e+00, v1;
	v2 =	vld [tilespmem:s22+$0xFFFFFFF0]  }
0x49: {  	[tilespmem:s22+$0xFFFFFF90] =	vst v0;
	v0 =	vmul.f32 $8.000000000e+00, v5;
	v5 =	vld [tilespmem:s22+$0x0]  }
0x4a: {  	[tilespmem:s22+$0xFFFFFFA0] =	vst v1;
	v1 =	vmul.f32 $8.000000000e+00, v6;
	v6 =	vld [tilespmem:s22+$0x10]  }
0x4b: {  	[tilespmem:s22+$0xFFFFFFB0] =	vst v0;
	v0 =	vmul.f32 $8.000000000e+00, v3;
	v3 =	vld [tilespmem:s22+$0x20]  }
0x4c: {  	[tilespmem:s22+$0xFFFFFFC0] =	vst v1;
	v1 =	vmul.f32 $8.000000000e+00, v4;
	v4 =	vld [tilespmem:s22+$0x30]  }
0x4d: {  	[tilespmem:s22+$0xFFFFFFD0] =	vst v0;
	v0 =	vmul.f32 $8.000000000e+00, v2;
	v2 =	vld [tilespmem:s22+$0x40]  }
0x4e: {  	[tilespmem:s22+$0xFFFFFFE0] =	vst v1;
	v1 =	vmul.f32 $8.000000000e+00, v5;
	v5 =	vld [tilespmem:s22+$0x50]  }
0x4f: {  	[tilespmem:s22+$0xFFFFFFF0] =	vst v0;
	v0 =	vmul.f32 $8.000000000e+00, v6;
	v6 =	vld [tilespmem:s22+$0x60]  }
0x50: {  	[tilespmem:s22+$0x0] =	vst v1;
	v1 =	vmul.f32 $8.000000000e+00, v3;
	v3 =	vld [tilespmem:s22+$0x70]  }
0x51: {  	[tilespmem:s22+$0x10] =	vst v0;
	v0 =	vmul.f32 $8.000000000e+00, v4;
	v4 =	vld [tilespmem:s22+$0x80]  }
0x52: {  	[tilespmem:s22+$0x20] =	vst v1;
	v1 =	vmul.f32 $8.000000000e+00, v2;
	v7 =	vld [tilespmem:s22+$0x90]  }
0x53: {  	[tilespmem:s22+$0x30] =	vst v0;
	v2 =	vmul.f32 $8.000000000e+00, v5;
	v8 =	vld [tilespmem:s22+$0xA0]  }
.Ltmp0:
0x54: {  	[tilespmem:s22+$0x40] =	vst v1;
	v5 =	vmul.f32 $8.000000000e+00, v6;
	v0 =	vld [tilespmem:s22+$0xB0];
	(pc) =	sbr.rel @p0 .LBB2_3-.Ltmp0, $4  }
0x55: {  	[tilespmem:s22+$0x50] =	vst v2;
	v3 =	vmul.f32 $8.000000000e+00, v3;
	v1 =	vld [tilespmem:s22+$0xC0]  }
0x56: {  	[tilespmem:s22+$0x60] =	vst v5;
	v6 =	vmul.f32 $8.000000000e+00, v4;
	v2 =	vld [tilespmem:s22+$0xD0]  }
0x57: {  	[tilespmem:s22+$0x70] =	vst v3;
	v5 =	vmul.f32 $8.000000000e+00, v7;
	v3 =	vld [tilespmem:s22+$0xE0]  }
0x58: {  	s22 =	sadd.s32 $0x200, s22;
	v4 =	vld [tilespmem:s19+$0xFFFFFF00];
	[tilespmem:s19+$0x80] =	vst v6;
	v6 =	vmul.f32 $8.000000000e+00, v8  }
0x59: {  	[tilespmem:s19+$0x90] =	vst v5;
	v0 =	vmul.f32 $8.000000000e+00, v0  }
0x5a: {  	[tilespmem:s19+$0xA0] =	vst v6;
	v1 =	vmul.f32 $8.000000000e+00, v1  }
0x5b: {  	[tilespmem:s19+$0xB0] =	vst v0;
	v0 =	vmul.f32 $8.000000000e+00, v2  }
0x5c: {  	s20 =	sadd.s32 s3, s20;
	[tilespmem:s19+$0xC0] =	vst v1;
	v1 =	vmul.f32 $8.000000000e+00, v3  }
0x5d: {  	s20 =	smul.u32 $0x1900, s20;
	v2 =	vmul.f32 $8.000000000e+00, v4;
	[tilespmem:s19+$0xD0] =	vst v0  }
0x5e: {  	p0 =	seq.s32 s17, $0xF;
	[tilespmem:s19+$0xE0] =	vst v1  }
0x5f: {  	s31 =	sadd.s32 s2, s20;
	[tilespmem:s19+$0xFFFFFF00] =	vst v2;
	s19 =	simm.s32 @!p0 $0x3  }
0x60: {  	[hbm4b:s31+s4] =	stream.linear.scatter [tilespmem:s10], [sflag:$0x3], $0xC800, $0x38;
	[tilespmem:$0x1F400] =	vst v63  }
0x61: {  	s20 =	smul.u32 @!p0 $0x1900, s17;
	_ =	swait.ge @!p0 [sflag:s19], $0xC800  }
0x62: {  	[sflag:s19] =	ssyncset.done @!p0 $0x0  }
0x63: {  	[sflag:s19] =	ssyncadd.s32 @!p0 $0xFFFF3800;
	s19 =	sshra.s32 @!p0 s20, $0x2  }
0x64: {  	s21 =	simm.s32 @!p0 $0x6400;
	s20 =	simm.s32 @!p0 $0x320;
	s19 =	sadd.s32 @!p0 $0x640, s19  }
0x65: {  	[tilespmem:s21], [sflag:$0x1] =	stream.indirect.gather @!p0 [hbm4b:s5+s20], $0x40, s19, s20, $0xb8;
	[tilespmem:$0x1F400] =	vst v63  }
0x66: {  	_ =	swait.ge [sflag:s13], $0xC800  }
0x67: {  	[sflag:s13] =	ssyncset.done $0x0  }
0x68: {  	s19 =	simm.s32 $0x12D00;
	[sflag:s13] =	ssyncadd.s32 $0xFFFF3800  }
0x69: {  	v0 =	vld [tilespmem:s19+$0xF0]  }
0x6a: {  	v1 =	vld [tilespmem:s19+$0xFFFFFF10]  }
0x6b: {  	v2 =	vld [tilespmem:s19+$0xFFFFFF20]  }
0x6c: {  	v3 =	vld [tilespmem:s19+$0xFFFFFF30]  }
0x6d: {  	v4 =	vld [tilespmem:s19+$0xFFFFFF40]  }
0x6e: {  	v5 =	vld [tilespmem:s19+$0xFFFFFF50];
	v0 =	vmul.f32 $8.000000000e+00, v0  }
0x6f: {  	v6 =	vld [tilespmem:s19+$0xFFFFFF60];
	v1 =	vmul.f32 $8.000000000e+00, v1  }
0x70: {  	v7 =	vld [tilespmem:s19+$0xFFFFFF70];
	v2 =	vmul.f32 $8.000000000e+00, v2;
	[tilespmem:s19+$0xF0] =	vst v0  }
0x71: {  	[tilespmem:s19+$0xFFFFFF10] =	vst v1;
	v0 =	vmul.f32 $8.000000000e+00, v3;
	v1 =	vld [tilespmem:s19+$0xFFFFFF80]  }
0x72: {  	[tilespmem:s19+$0xFFFFFF20] =	vst v2;
	v2 =	vmul.f32 $8.000000000e+00, v4;
	v3 =	vld [tilespmem:s19+$0xFFFFFF90]  }
0x73: {  	v4 =	vld [tilespmem:s19+$0xFFFFFFA0];
	[tilespmem:s19+$0xFFFFFF30] =	vst v0;
	v0 =	vmul.f32 $8.000000000e+00, v5  }
0x74: {  	[tilespmem:s19+$0xFFFFFF40] =	vst v2;
	v2 =	vmul.f32 $8.000000000e+00, v6;
	v5 =	vld [tilespmem:s19+$0xFFFFFFB0]  }
0x75: {  	v6 =	vld [tilespmem:s19+$0xFFFFFFC0];
	[tilespmem:s19+$0xFFFFFF50] =	vst v0;
	v0 =	vmul.f32 $8.000000000e+00, v7  }
0x76: {  	[tilespmem:s19+$0xFFFFFF60] =	vst v2;
	v2 =	vld [tilespmem:s19+$0xFFFFFFD0];
	v1 =	vmul.f32 $8.000000000e+00, v1  }
0x77: {  	[tilespmem:s19+$0xFFFFFF70] =	vst v0;
	v0 =	vmul.f32 $8.000000000e+00, v3;
	v3 =	vld [tilespmem:s19+$0xFFFFFFE0]  }
0x78: {  	[tilespmem:s19+$0xFFFFFF80] =	vst v1;
	v1 =	vmul.f32 $8.000000000e+00, v4;
	v4 =	vld [tilespmem:s19+$0xFFFFFFF0]  }
0x79: {  	[tilespmem:s19+$0xFFFFFF90] =	vst v0;
	v0 =	vmul.f32 $8.000000000e+00, v5;
	v5 =	vld [tilespmem:s19+$0x0]  }
0x7a: {  	[tilespmem:s19+$0xFFFFFFA0] =	vst v1;
	v1 =	vmul.f32 $8.000000000e+00, v6;
	v6 =	vld [tilespmem:s19+$0x10]  }
0x7b: {  	[tilespmem:s19+$0xFFFFFFB0] =	vst v0;
	v0 =	vmul.f32 $8.000000000e+00, v2;
	v2 =	vld [tilespmem:s19+$0x20]  }
0x7c: {  	[tilespmem:s19+$0xFFFFFFC0] =	vst v1;
	v1 =	vmul.f32 $8.000000000e+00, v3;
	v3 =	vld [tilespmem:s19+$0x30]  }
0x7d: {  	[tilespmem:s19+$0xFFFFFFD0] =	vst v0;
	v0 =	vmul.f32 $8.000000000e+00, v4;
	v4 =	vld [tilespmem:s19+$0x40]  }
0x7e: {  	[tilespmem:s19+$0xFFFFFFE0] =	vst v1;
	v1 =	vmul.f32 $8.000000000e+00, v5;
	v5 =	vld [tilespmem:s19+$0x50]  }
0x7f: {  	[tilespmem:s19+$0xFFFFFFF0] =	vst v0;
	v0 =	vmul.f32 $8.000000000e+00, v6;
	v6 =	vld [tilespmem:s19+$0x60]  }
0x80: {  	[tilespmem:s19+$0x0] =	vst v1;
	v1 =	vmul.f32 $8.000000000e+00, v2;
	v2 =	vld [tilespmem:s19+$0x70]  }
0x81: {  	[tilespmem:s19+$0x10] =	vst v0;
	v0 =	vmul.f32 $8.000000000e+00, v3;
	v3 =	vld [tilespmem:s19+$0x80]  }
0x82: {  	[tilespmem:s19+$0x20] =	vst v1;
	v1 =	vmul.f32 $8.000000000e+00, v4;
	v4 =	vld [tilespmem:s19+$0x90]  }
0x83: {  	v7 =	vld [tilespmem:s19+$0xA0];
	[tilespmem:s19+$0x30] =	vst v0;
	v5 =	vmul.f32 $8.000000000e+00, v5  }
0x84: {  	v0 =	vld [tilespmem:s19+$0xB0];
	[tilespmem:s19+$0x40] =	vst v1;
	v6 =	vmul.f32 $8.000000000e+00, v6  }
0x85: {  	v1 =	vld [tilespmem:s19+$0xC0];
	[tilespmem:s19+$0x50] =	vst v5;
	v5 =	vmul.f32 $8.000000000e+00, v2  }
0x86: {  	v2 =	vld [tilespmem:s19+$0xD0];
	[tilespmem:s19+$0x60] =	vst v6;
	v6 =	vmul.f32 $8.000000000e+00, v3  }
0x87: {  	v3 =	vld [tilespmem:s19+$0xE0];
	[tilespmem:s19+$0x70] =	vst v5;
	v5 =	vmul.f32 $8.000000000e+00, v4  }
0x88: {  	s20 =	simm.s32 $0x0;
	s21 =	simm.s32 $0x12F00;
	v4 =	vld [tilespmem:s19+$0xFFFFFF00];
	[tilespmem:s19+$0x80] =	vst v6;
	v6 =	vmul.f32 $8.000000000e+00, v7  }
.LBB2_5:
0x89: {  	v7 =	vld [tilespmem:s21+$0xF0];
	s20 =	sadd.s32 $0x8, s20;
	[tilespmem:s19+$0x90] =	vst v5;
	v0 =	vmul.f32 $8.000000000e+00, v0  }
0x8a: {  	v5 =	vld [tilespmem:s21+$0xFFFFFF10];
	p0 =	slt.u32 s20, $0x318;
	[tilespmem:s19+$0xA0] =	vst v6;
	v1 =	vmul.f32 $8.000000000e+00, v1  }
0x8b: {  	v6 =	vld [tilespmem:s21+$0xFFFFFF20];
	[tilespmem:s19+$0xB0] =	vst v0;
	v0 =	vmul.f32 $8.000000000e+00, v2  }
0x8c: {  	v2 =	vld [tilespmem:s21+$0xFFFFFF30];
	[tilespmem:s19+$0xC0] =	vst v1;
	v1 =	vmul.f32 $8.000000000e+00, v3  }
0x8d: {  	v3 =	vld [tilespmem:s21+$0xFFFFFF40];
	v4 =	vmul.f32 $8.000000000e+00, v4;
	[tilespmem:s19+$0xD0] =	vst v0  }
0x8e: {  	v0 =	vld [tilespmem:s21+$0xFFFFFF50];
	v7 =	vmul.f32 $8.000000000e+00, v7;
	[tilespmem:s19+$0xE0] =	vst v1  }
0x8f: {  	v1 =	vmul.f32 $8.000000000e+00, v5;
	v5 =	vld [tilespmem:s21+$0xFFFFFF60];
	[tilespmem:s19+$0xFFFFFF00] =	vst v4;
	s19 =	smov.u32 s21  }
0x90: {  	v4 =	vmul.f32 $8.000000000e+00, v6;
	v6 =	vld [tilespmem:s21+$0xFFFFFF70];
	[tilespmem:s21+$0xF0] =	vst v7  }
0x91: {  	[tilespmem:s21+$0xFFFFFF10] =	vst v1;
	v1 =	vmul.f32 $8.000000000e+00, v2;
	v2 =	vld [tilespmem:s21+$0xFFFFFF80]  }
0x92: {  	[tilespmem:s21+$0xFFFFFF20] =	vst v4;
	v3 =	vmul.f32 $8.000000000e+00, v3;
	v4 =	vld [tilespmem:s21+$0xFFFFFF90]  }
0x93: {  	[tilespmem:s21+$0xFFFFFF30] =	vst v1;
	v0 =	vmul.f32 $8.000000000e+00, v0;
	v1 =	vld [tilespmem:s21+$0xFFFFFFA0]  }
0x94: {  	[tilespmem:s21+$0xFFFFFF40] =	vst v3;
	v3 =	vmul.f32 $8.000000000e+00, v5;
	v5 =	vld [tilespmem:s21+$0xFFFFFFB0]  }
0x95: {  	[tilespmem:s21+$0xFFFFFF50] =	vst v0;
	v0 =	vmul.f32 $8.000000000e+00, v6;
	v6 =	vld [tilespmem:s21+$0xFFFFFFC0]  }
0x96: {  	[tilespmem:s21+$0xFFFFFF60] =	vst v3;
	v2 =	vmul.f32 $8.000000000e+00, v2;
	v3 =	vld [tilespmem:s21+$0xFFFFFFD0]  }
0x97: {  	[tilespmem:s21+$0xFFFFFF70] =	vst v0;
	v0 =	vmul.f32 $8.000000000e+00, v4;
	v4 =	vld [tilespmem:s21+$0xFFFFFFE0]  }
0x98: {  	[tilespmem:s21+$0xFFFFFF80] =	vst v2;
	v1 =	vmul.f32 $8.000000000e+00, v1;
	v2 =	vld [tilespmem:s21+$0xFFFFFFF0]  }
0x99: {  	[tilespmem:s21+$0xFFFFFF90] =	vst v0;
	v0 =	vmul.f32 $8.000000000e+00, v5;
	v5 =	vld [tilespmem:s21+$0x0]  }
0x9a: {  	[tilespmem:s21+$0xFFFFFFA0] =	vst v1;
	v1 =	vmul.f32 $8.000000000e+00, v6;
	v6 =	vld [tilespmem:s21+$0x10]  }
0x9b: {  	[tilespmem:s21+$0xFFFFFFB0] =	vst v0;
	v0 =	vmul.f32 $8.000000000e+00, v3;
	v3 =	vld [tilespmem:s21+$0x20]  }
0x9c: {  	[tilespmem:s21+$0xFFFFFFC0] =	vst v1;
	v1 =	vmul.f32 $8.000000000e+00, v4;
	v4 =	vld [tilespmem:s21+$0x30]  }
0x9d: {  	[tilespmem:s21+$0xFFFFFFD0] =	vst v0;
	v0 =	vmul.f32 $8.000000000e+00, v2;
	v2 =	vld [tilespmem:s21+$0x40]  }
0x9e: {  	[tilespmem:s21+$0xFFFFFFE0] =	vst v1;
	v1 =	vmul.f32 $8.000000000e+00, v5;
	v5 =	vld [tilespmem:s21+$0x50]  }
0x9f: {  	[tilespmem:s21+$0xFFFFFFF0] =	vst v0;
	v0 =	vmul.f32 $8.000000000e+00, v6;
	v6 =	vld [tilespmem:s21+$0x60]  }
0xa0: {  	[tilespmem:s21+$0x0] =	vst v1;
	v1 =	vmul.f32 $8.000000000e+00, v3;
	v3 =	vld [tilespmem:s21+$0x70]  }
0xa1: {  	[tilespmem:s21+$0x10] =	vst v0;
	v0 =	vmul.f32 $8.000000000e+00, v4;
	v4 =	vld [tilespmem:s21+$0x80]  }
0xa2: {  	[tilespmem:s21+$0x20] =	vst v1;
	v1 =	vmul.f32 $8.000000000e+00, v2;
	v7 =	vld [tilespmem:s21+$0x90]  }
0xa3: {  	[tilespmem:s21+$0x30] =	vst v0;
	v2 =	vmul.f32 $8.000000000e+00, v5;
	v8 =	vld [tilespmem:s21+$0xA0]  }
.Ltmp1:
0xa4: {  	[tilespmem:s21+$0x40] =	vst v1;
	v5 =	vmul.f32 $8.000000000e+00, v6;
	v0 =	vld [tilespmem:s21+$0xB0];
	(pc) =	sbr.rel @p0 .LBB2_5-.Ltmp1, $4  }
0xa5: {  	[tilespmem:s21+$0x50] =	vst v2;
	v3 =	vmul.f32 $8.000000000e+00, v3;
	v1 =	vld [tilespmem:s21+$0xC0]  }
0xa6: {  	[tilespmem:s21+$0x60] =	vst v5;
	v6 =	vmul.f32 $8.000000000e+00, v4;
	v2 =	vld [tilespmem:s21+$0xD0]  }
0xa7: {  	[tilespmem:s21+$0x70] =	vst v3;
	v5 =	vmul.f32 $8.000000000e+00, v7;
	v3 =	vld [tilespmem:s21+$0xE0]  }
0xa8: {  	s21 =	sadd.s32 $0x200, s21;
	v4 =	vld [tilespmem:s19+$0xFFFFFF00];
	[tilespmem:s19+$0x80] =	vst v6;
	v6 =	vmul.f32 $8.000000000e+00, v8  }
0xa9: {  	[tilespmem:s19+$0x90] =	vst v5;
	v0 =	vmul.f32 $8.000000000e+00, v0  }
0xaa: {  	s17 =	sadd.s32 $0x1, s17;
	[tilespmem:s19+$0xA0] =	vst v6;
	v1 =	vmul.f32 $8.000000000e+00, v1  }
0xab: {  	p0 =	sne.s32 s17, $0x10;
	[tilespmem:s19+$0xB0] =	vst v0;
	v61 =	vmul.f32 $8.000000000e+00, v2  }
.Ltmp2:
0xac: {  	s18 =	sadd.s32 s3, s18;
	[tilespmem:s19+$0xC0] =	vst v1;
	v62 =	vmul.f32 $8.000000000e+00, v3;
	(pc) =	sbr.rel @p0 .LBB2_2-.Ltmp2, $4  }
0xad: {  	s18 =	smul.u32 $0x1900, s18;
	v63 =	vmul.f32 $8.000000000e+00, v4;
	[tilespmem:s19+$0xD0] =	vst v61  }
0xae: {  	[tilespmem:s19+$0xE0] =	vst v62  }
0xaf: {  	s18 =	sadd.s32 s2, s18;
	[tilespmem:s19+$0xFFFFFF00] =	vst v63  }
0xb0: {  	[hbm4b:s18+s4] =	stream.linear.scatter [tilespmem:s11], [sflag:$0x4], $0xC800, $0x38;
	[tilespmem:$0x1F400] =	vst v63  }
0xb1: {  	s16 =	sadd.s32 $0x1, s16  }
0xb2: {  	_ =	swait.ge [sflag:s14], $0xC800;
	p0 =	sne.s32 s16, s7  }
.Ltmp3:
0xb3: {  	[sflag:s14] =	ssyncset.done $0x0;
	(pc) =	sbr.rel @p0 .LBB2_1-.Ltmp3, $4  }
0xb4: {  	[sflag:s14] =	ssyncadd.s32 $0xFFFF3800  }
0xb5: {  	_ =	swait.ge [sflag:s15], $0xC800  }
0xb6: {  	[sflag:s15] =	ssyncset.done $0x0  }
0xb7: {  	[sflag:s15] =	ssyncadd.s32 $0xFFFF3800  }
0xb8: {  	_ =	sfence.sel $0x180000  }
0xb9: {  	[bflag:$0x0] =	sbarrier.arrive $0xFFFF  }
0xba: {  	p0 =	sne.s32 s0, $0x0;
	_ =	strace $0x90000047  }
0xbb: {  	s0 =	sadd.s32 @!p0 $0x100000, s1;
	[bflag:$0x2] =	sbarrier.arrive $0xFFFF  }
0xbc: {  	[sflag:s0] =	ssyncadd.tile.s32 @!p0 $0x1;
	_ =	shalt  }
.Lfunc_end2:
_tile_overlayer_lowered:
.L_overlay_start_2:
0xbd: {  	(tag) =	ssettag $0x2  }
0xbe: {  	s0 =	rddreg [dreg:$0x0];
	s2 =	stileid.u32  }
0xbf: {  	s1 =	rddreg [dreg:$0x1];
	p0 =	sne.s32 s2, $0x0  }
0xc0: {  	s3 =	rddreg [dreg:$0x2];
	[bflag:$0x3] =	sbarrier.arrive $0xFFFF;
	s2 =	simm.s32 @!p0 $0x1C05  }
0xc1: {  	[timem:s3], [sflag:s2] =	dma.local @!p0 [hbm:s0], s1  }
0xc2: {  	s0 =	simm.s32 @!p0 $0x5  }
0xc3: {  	_ =	swait.ge @!p0 [sflag:s0], s1  }
0xc4: {  	s1 =	ssub.s32 @!p0 $0x0, s1;
	[sflag:s0] =	ssyncset.done @!p0 $0x0  }
0xc5: {  	[sflag:s0] =	ssyncadd.s32 @!p0 s1  }
0xc6: {  	[bflag:$0x3] =	sbarrier.arrive $0xFFFF  }
0xc7: {  	_ =	shalt  }

// kernel: sparse-core-data-format-call.cloned.1.call-start
scs
called_computation_lowered:
.L_overlay_start_0:
0x0: {  	s2 =	sld [smem:$0x3FD9]  }
0x1: {  	s3 =	sld [smem:$0x3FFE];
	_ =	sdelay $0x1  }
0x2: {  	s1 =	srdreg.scid  }
0x3: {  	s0 =	sand.u32 $0x1, s1  }
0x4: {  	s18 =	sshll.u32 s0, $0xA;
	s2 =	sadd.s32 s3, s2  }
0x5: {  	s2 =	sadd.s32 s2, s18  }
0x6: {  	[smem:$0x3FC6] =	sst s2  }
0x7: {  	_ = 	snop  }
0x8: {  	s2 =	sld [smem:$0x3FD0];
	(tm) =	ssettm $0x1  }
0x9: {  	s19 =	sld [smem:$0x3FFB];
	_ =	sdelay $0x3  }
0xa: {  	_ =	strace s19  }
0xb: {  	s3 =	sld [smem:$0x3FFC];
	_ =	sdelay $0x3  }
0xc: {  	_ =	strace s3  }
0xd: {  	s3 =	sld [smem:$0x3FFD];
	_ =	sdelay $0x3  }
0xe: {  	_ =	strace s3  }
0xf: {  	_ =	strace $0x8FFFFFFF  }
0x10: {  	s20 =	sld [smem:$0x3FDB];
	_ =	sdelay $0x1  }
0x11: {  	s4 =	simm.s32 $_scs_section_size  }
0x12: {  	s5 =	simm.s32 $_size__tile_overlayer_lowered;
	s6 =	simm.s32 $_tile_overlayer_lowered  }
0x13: {  	s23 =	simm.s32 $0x1BFF;
	s22 =	sshll.u32 s6, $0x1;
	s3 =	sadd.s32 s4, s20  }
0x14: {  	s7 =	simm.s32 $0x0;
	s21 =	sshll.u32 s5, $0x1;
	s5 =	sadd.s32 s22, s3  }
0x15: {  	[timem:s7], [sflag:s23] =	dma.local [hbm:s5], s21  }
0x16: {  	_ =	swait.ge [sflag:s23], s21  }
0x17: {  	s4 =	ssub.s32 $0x0, s21;
	[sflag:s23] =	ssyncset.done $0x0  }
0x18: {  	[sflag:s23] =	ssyncadd.s32 s4;
	_ =	sdelay $0x1  }
0x19: {  	s24 =	simm.s32 $0x1B8B  }
0x1a: {  	_ =	swait.ge [sflag:s24], $0x1  }
0x1b: {  	[sflag:s24] =	ssyncset.done $0x0  }
0x1c: {  	s26 =	simm.s32 $0x1B8E;
	s25 =	sld [smem:$0x3FFE];
	[sflag:s24] =	ssyncadd.s32 $0xFFFFFFFF  }
0x1d: {  	s27 =	simm.s32 $execute0_lowered;
	[smem:$0x3FD2] =	sst s26  }
0x1e: {  	s5 =	sshll.u32 s27, $0x1;
	_ =	strace $0x80000049;
	[dreg:$0x1] =	wrdreg $0xFFFFFFFF  }
0x1f: {  	s28 =	simm.s32 $_size_execute0_lowered;
	s3 =	sadd.s32 s3, s5;
	[dreg:$0x0] =	wrdreg $0x0  }
0x20: {  	s5 =	sshll.u32 s28, $0x1;
	[dreg:$0x2] =	wrdreg s3  }
0x21: {  	[dreg:$0x3] =	wrdreg s5  }
0x22: {  	[dreg:$0x4] =	wrdreg $0xC0  }
0x23: {  	_ =	task [dreg:s7], $0x5FFFF  }
0x24: {  	[dreg:$0x1] =	wrdreg $0xFFFFFFFF  }
0x25: {  	[dreg:$0x0] =	wrdreg $0x60  }
0x26: {  	[dreg:$0x2] =	wrdreg s25  }
0x27: {  	[dreg:$0x3] =	wrdreg s2  }
0x28: {  	[dreg:$0x4] =	wrdreg $0x9  }
0x29: {  	_ =	task.clear_ibuf [dreg:s7], $0x5FFFF;
	_ =	strace $0x90000049  }
0x2a: {  	s29 =	simm.s32 $0x9;
	_ =	strace $0x8000004B  }
0x2b: {  	_ =	swait.ge [sflag:s29], $0x1  }
0x2c: {  	[sflag:s29] =	ssyncadd.s32 $0xFFFFFFFF  }
0x2d: {  	_ =	strace $0x9000004B  }
0x2e: {  	_ =	sfence  }
0x2f: {  	s30 =	sld [smem:$0x0];
	_ =	sdelay $0x2  }
0x30: {  	s31 =	sshll.u32 s1, $0xD;
	s1 =	sshrl.u32 s1, $0x2  }
0x31: {  	s3 =	sand.u32 $0x4000, s31;
	s1 =	sadd.s32 s1, s30  }
0x32: {  	s0 =	sor.u32 s3, s0;
	s1 =	sshll.u32 s1, $0x11  }
0x33: {  	s0 =	sor.u32 s1, s0  }
0x34: {  	s0 =	sadd.s32 $0x8F2B, s0  }
0x35: {  	[sflag:s0] =	ssyncadd.remote.s32 $0x1  }
0x36: {  	_ =	sfence.sel $0xFFFF  }
0x37: {  	[dreg:$0x0] =	wrdreg $0xFFFFFFFF;
	(pc) =	sbr.abs _section_cstart, $3  }
0x38: {  	[dreg:$0x1] =	wrdreg $0xFFFFFFFF  }
0x39: {  	_ =	task.clear_ibuf [dreg:s7], $0x2FFFF;
	_ =	strace $0x9FFFFFFF  }
0x3a: {  	(tm) =	ssettm $0x7FFFFFFF  }
0x3b: {  	_ =	shalt  }
tec
execute0_lowered:
.L_overlay_start_1:
0x0: {  	(tag) =	ssettag $0x1  }
0x1: {  	s0 =	srdreg.scid  }
0x2: {  	s1 =	sshll.u32 s0, $0x4  }
0x3: {  	s0 =	stileid.u32;
	s1 =	sand.u32 $0x10, s1  }
0x4: {  	s1 =	sor.u32 s0, s1  }
0x5: {  	s6 =	rddreg [dreg:$0x0];
	s4 =	simm.s32 $0x1;
	s2 =	sshll.u32 s1, $0x7  }
0x6: {  	s7 =	simm.s32 $0x2;
	s12 =	simm.s32 $0x0;
	s1 =	ssub.s32 $0x4000, s2  }
0x7: {  	s8 =	simm.s32 $0x20000;
	s13 =	simm.s32 $0x0;
	s3 =	sand.u32 $0xF80, s1  }
0x8: {  	s9 =	simm.s32 $0x0;
	s5 =	sshrl.u32 s1, $0xC;
	p0 =	sne.s32 s3, $0x0  }
.Ltmp0:
0x9: {  	s1 =	rddreg [dreg:$0x2];
	s4 =	simm.s32 @!p0 $0x0;
	(pc) =	sbr.rel .LBB1_1-.Ltmp0, $4  }
0xa: {  	s11 =	simm.s32 $0x0;
	s3 =	rddreg [dreg:$0x1];
	s5 =	sadd.s32 s4, s5  }
0xb: {  	_ =	strace $0x8000004A;
	s4 =	simm.s32 $0x1;
	s5 =	smul.u32 $0x32, s5  }
0xc: {  	s6 =	sadd.s32 $0xA00, s6;
	s10 =	smov.u32 s2;
	[sflag:s4] =	ssyncpa.u1 $0x0  }
0xd: {  	p0 =	por $0x0, $0x0;
	[sflag:s7] =	ssyncpa.u1 $0x0;
	s7 =	sor.u32 $0x1, s5  }
.LBB1_4:
0xe: {  	s16 =	sshll.u32 s13, $0x3;
	s17 =	sand.u32 $0x78, s13  }
0xf: {  	s30 =	sand.u32 $0x1F800, s13;
	s12 =	sshll.u32 s12, $0x11;
	s16 =	sand.u32 $0x3C00, s16  }
0x10: {  	[tilespmem:s15+$0x810 ss:$0x81] =	vst.msk $0xffff, v2;
	s31 =	sand.u32 $0x7, s13;
	s16 =	sor.u32 s17, s16;
	s17 =	sadd.s32 s3, s30  }
0x11: {  	[tilespmem:s15+$0x1020 ss:$0x81] =	vst.msk $0xffff, v0;
	s13 =	sshll.u32 s31, $0x12;
	s12 =	sadd.s32 s12, s17;
	s16 =	sshrl.u32 s16, $0x3  }
0x12: {  	[tilespmem:s15+$0x0 ss:$0x81] =	vst.msk $0xffff, v1;
	s13 =	sor.u32 $0x400, s13;
	s12 =	sadd.s32 s16, s12  }
0x13: {  	[hbm4b:s12+s13] =	stream.strided.scatter [tilespmem:s14], [sflag:$0x2], $0x2000, s8, s13, $0x20;
	[tilespmem:$0x8080] =	vst v63  }
.LBB1_5:
0x14: {  	s14 =	sadd.s32 $0x1, s9  }
0x15: {  	s12 =	sadd.s32 $0x1000, s10;
	s16 =	smov.u32 s10;
	p2 =	sgt.s32 s14, $0x31  }
0x16: {  	s16 =	smov.u32 @p2 s12  }
0x17: {  	s14 =	simm.s32 @p2 $0x0;
	p2 =	sgt.s32 s16, $0x3FFF  }
0x18: {  	s16 =	smov.u32 @p2 s2;
	p2 =	sne.s32 s11, s7  }
.Ltmp1:
0x19: {  	p1 =	slt.u32 s11, $0x2;
	(pc) =	sbr.rel @!p2 .LBB1_6-.Ltmp1, $4  }
0x1a: {  	s15 =	simm.s32 @!p1 $0x2  }
0x1b: {  	s13 =	smov.u32 s10;
	p0 =	por !p0, !p0;
	_ =	swait.ge @!p1 [sflag:s15], $0x2000  }
0x1c: {  	s12 =	smov.u32 s9;
	[sflag:s15] =	ssyncset.done @!p1 $0x0;
	s9 =	smov.u32 s14  }
0x1d: {  	s11 =	sadd.s32 $0x1, s11;
	[sflag:s15] =	ssyncadd.s32 @!p1 $0xFFFFE000;
	s10 =	smov.u32 s16  }
.LBB1_1:
0x1e: {  	p1 =	sge.u32 s11, s5  }
0x1f: {  	s14 =	sand.u32 @!p1 $0x1FFFFFF, s9  }
0x20: {  	s15 =	smulhi.u32 @!p1 $0x4924925, s14;
	_ =	sdelay $0x1  }
0x21: {  	s15 =	smul.u32 @!p1 $0x38, s15  }
0x22: {  	s16 =	sxor.u32 @!p1 $0xFFFFFFFF, s11;
	s17 =	smul.u32 @!p1 $0x380, s10  }
0x23: {  	s31 =	sadd.s32 $0xFFFFFFFF, s11;
	s16 =	sshll.u32 @!p1 s16, $0xD;
	s14 =	ssub.s32 @!p1 s14, s15  }
0x24: {  	s15 =	sand.u32 @!p1 $0x2000, s16;
	s16 =	sadd.s32 @!p1 s6, s17;
	s14 =	sshll.u32 @!p1 s14, $0x4  }
0x25: {  	s17 =	simm.s32 @!p1 $0x1C00;
	s14 =	sadd.s32 @!p1 s14, s16;
	s16 =	simm.s32 @!p1 $0x40  }
0x26: {  	[tilespmem:s15], [sflag:$0x1] =	stream.strided.gather @!p1 [hbm4b:s14+s16], $0x2000, s17, s16, $0x38;
	[tilespmem:$0x8080] =	vst v63  }
0x27: {  	p1 =	sge.u32 s31, s5  }
.Ltmp2:
0x28: {  	_ = 	snop;
	(pc) =	sbr.rel @p1 .LBB1_5-.Ltmp2, $1  }
0x29: {  	_ =	sdelay $0x3  }
0x2a: {  	s14 =	simm.s32 $0x1  }
0x2b: {  	_ =	swait.ge [sflag:s4], $0x2000;
	s14 =	simm.s32 @!p0 $0x0  }
0x2c: {  	[sflag:s4] =	ssyncset.done $0x0;
	s15 =	sshll.u32 s14, $0xD  }
0x2d: {  	[sflag:s4] =	ssyncadd.s32 $0xFFFFE000;
	s18 =	sor.u32 $0x20, s15  }
0x2e: {  	s14 =	smul.u32 $0x8100, s14;
	v3 =	vld [tilespmem:s18+$0x10]  }
0x2f: {  	s30 =	sand.u32 $0x1, s11;
	v2 =	vld [tilespmem:s18+$0xFFFFFFF0]  }
0x30: {  	s15 =	smul.u32 $0x8100, s30;
	s14 =	sshrl.u32 s14, $0x2;
	v0 =	vld [tilespmem:s18+$0x0]  }
0x31: {  	v1 =	vld [tilespmem:s18+$0xFFFFFFE0];
	s16 =	sor.u32 $0x4000, s14  }
0x32: {  	s31 =	sshrl.u32 s15, $0x2;
	s15 =	sadd.s32 $0x0, s16  }
0x33: {  	s17 =	simm.s32 $0x4;
	s18 =	sadd.s32 $0x40, s18;
	s14 =	sor.u32 $0x4000, s31;
	[tilespmem:s15+$0x1830 ss:$0x81] =	vst.msk $0xffff, v3  }
.LBB1_3:
0x34: {  	v3 =	vld [tilespmem:s18+$0x10];
	p1 =	sne.s32 s17, $0x1FC;
	[tilespmem:s15+$0x810 ss:$0x81] =	vst.msk $0xffff, v2;
	s19 =	smov.u32 s17;
	s17 =	sadd.s32 $0x4, s17  }
.Ltmp3:
0x35: {  	v2 =	vld [tilespmem:s18+$0xFFFFFFF0];
	[tilespmem:s15+$0x1020 ss:$0x81] =	vst.msk $0xffff, v0;
	(pc) =	sbr.rel @p1 .LBB1_3-.Ltmp3, $4  }
0x36: {  	v0 =	vld [tilespmem:s18+$0x0];
	[tilespmem:s15+$0x0 ss:$0x81] =	vst.msk $0xffff, v1  }
0x37: {  	s15 =	sshra.s32 s19, $0x2;
	v1 =	vld [tilespmem:s18+$0xFFFFFFE0]  }
0x38: {  	s15 =	sadd.s32 s15, s16  }
0x39: {  	s18 =	sadd.s32 $0x40, s18;
	[tilespmem:s15+$0x1830 ss:$0x81] =	vst.msk $0xffff, v3  }
.Ltmp4:
0x3a: {  	_ = 	snop;
	(pc) =	sbr.rel .LBB1_4-.Ltmp4, $1  }
0x3b: {  	_ =	sdelay $0x3  }
.LBB1_6:
0x3c: {  	_ =	sfence.sel $0x180000  }
0x3d: {  	s2 =	simm.s32 $0x1;
	[bflag:$0x0] =	sbarrier.arrive $0xFFFF  }
0x3e: {  	s31 =	simm.s32 $0x2;
	[sflag:s2] =	ssyncpa.u1 $0x1  }
0x3f: {  	[sflag:s31] =	ssyncpa.u1 $0x1  }
0x40: {  	p0 =	sne.s32 s0, $0x0;
	_ =	strace $0x9000004A  }
0x41: {  	s0 =	sadd.s32 @!p0 $0x100000, s1;
	[bflag:$0x2] =	sbarrier.arrive $0xFFFF  }
0x42: {  	[sflag:s0] =	ssyncadd.tile.s32 @!p0 $0x1;
	_ =	shalt  }
.Lfunc_end1:
_tile_overlayer_lowered:
.L_overlay_start_2:
0x43: {  	(tag) =	ssettag $0x2  }
0x44: {  	s0 =	rddreg [dreg:$0x0];
	s2 =	stileid.u32  }
0x45: {  	s1 =	rddreg [dreg:$0x1];
	p0 =	sne.s32 s2, $0x0  }
0x46: {  	s3 =	rddreg [dreg:$0x2];
	[bflag:$0x3] =	sbarrier.arrive $0xFFFF;
	s2 =	simm.s32 @!p0 $0x1C01  }
0x47: {  	[timem:s3], [sflag:s2] =	dma.local @!p0 [hbm:s0], s1  }
0x48: {  	s0 =	simm.s32 @!p0 $0x1  }
0x49: {  	_ =	swait.ge @!p0 [sflag:s0], s1  }
0x4a: {  	s1 =	ssub.s32 @!p0 $0x0, s1;
	[sflag:s0] =	ssyncset.done @!p0 $0x0  }
0x4b: {  	[sflag:s0] =	ssyncadd.s32 @!p0 s1  }
0x4c: {  	[bflag:$0x3] =	sbarrier.arrive $0xFFFF  }
0x4d: {  	_ =	shalt  }

</sc_bundles>
